<compile_context>
chip_gen: v7x
topology: tpu7x:2x2x1
jax: 0.10.2.dev20260603
libtpu: 0.0.44.dev20260713+nightly
codegen_flags: <defaults>
</compile_context>

<pallas_src>
import functools

import jax
import jax.numpy as jnp
from jax import lax
from jax.experimental import pallas as pl
from jax.experimental.pallas import tpu as pltpu
from jax.experimental.pallas import tpu_sc as plsc

_NC = 2
_NS = 16
_NW = _NC * _NS


def _route_body(x_ref, wr_ref, slot_ref, xg_ref, carry_ref, *, E, C, R):
    b = pl.program_id(0)

    @pl.when(b == 0)
    def _init():
        carry_ref[...] = jnp.zeros_like(carry_ref)

    x = x_ref[...]
    logits = jnp.dot(x, wr_ref[...], preferred_element_type=jnp.float32)
    m = jnp.max(logits, axis=1, keepdims=True)
    col = lax.broadcasted_iota(jnp.int32, logits.shape, 1)
    e_idx = jnp.min(jnp.where(logits == m, col, E), axis=1, keepdims=True)
    gate = 1.0 / jnp.sum(jnp.exp(logits - m), axis=1, keepdims=True)

    onehot = (col == e_idx).astype(jnp.float32)
    cum = onehot
    k = 1
    while k < R:
        shifted = jnp.concatenate([jnp.zeros((k, E), jnp.float32), cum[:-k]], 0)
        cum = cum + shifted
        k *= 2
    total = cum + carry_ref[...]
    carry_ref[...] = total[-1:, :]
    pos = jnp.sum((total - 1.0) * onehot, axis=1, keepdims=True)
    pos_i = pos.astype(jnp.int32)
    keep = pos_i < C
    slot_ref[...] = jnp.where(keep, e_idx * C + pos_i, E * C)
    xg_ref[...] = x * jnp.where(keep, gate, 0.0)


def _route(x2d, w_router, E, C, R):
    T, d = x2d.shape
    grid = (T // R,)
    slot2d, xg = pl.pallas_call(
        functools.partial(_route_body, E=E, C=C, R=R),
        grid=grid,
        in_specs=[
            pl.BlockSpec((R, d), lambda b: (b, 0)),
            pl.BlockSpec((d, E), lambda b: (0, 0)),
        ],
        out_specs=[
            pl.BlockSpec((R, 1), lambda b: (b, 0)),
            pl.BlockSpec((R, d), lambda b: (b, 0)),
        ],
        out_shape=[
            jax.ShapeDtypeStruct((T, 1), jnp.int32),
            jax.ShapeDtypeStruct((T, d), jnp.float32),
        ],
        scratch_shapes=[pltpu.VMEM((1, E), jnp.float32)],
    )(x2d, w_router)
    return slot2d, xg


def _dispatch(xg, slot3d, n_rows, CH):
    T, d = xg.shape
    tpw = T // _NW
    nch = tpw // CH
    mesh = plsc.VectorSubcoreMesh(core_axis_name="c", subcore_axis_name="s")

    @functools.partial(
        pl.kernel,
        out_type=jax.ShapeDtypeStruct((n_rows, d), jnp.float32),
        mesh=mesh,
        scratch_types=[
            pltpu.VMEM((nch, CH), jnp.int32),
            pltpu.VMEM((1, CH, d), jnp.float32),
            pltpu.SemaphoreType.DMA,
        ],
    )
    def run(xg_hbm, slot_hbm, buf_hbm, idx_v, rows_v, rsem):
        wid = lax.axis_index("s") * _NC + lax.axis_index("c")
        base = wid * tpw
        pltpu.sync_copy(slot_hbm.at[wid], idx_v)
        for k in range(nch):
            pltpu.sync_copy(xg_hbm.at[pl.ds(base + k * CH, CH)], rows_v.at[0])
            pltpu.async_copy(rows_v.at[0], buf_hbm.at[idx_v.at[k]], rsem).wait()

    return run(xg, slot3d)


def _combine(o, slot3d, T, CH):
    n_rows, d = o.shape
    tpw = T // _NW
    nch = tpw // CH
    mesh = plsc.VectorSubcoreMesh(core_axis_name="c", subcore_axis_name="s")

    @functools.partial(
        pl.kernel,
        out_type=jax.ShapeDtypeStruct((T, d), jnp.float32),
        mesh=mesh,
        scratch_types=[
            pltpu.VMEM((nch, CH), jnp.int32),
            pltpu.VMEM((1, CH, d), jnp.float32),
            pltpu.SemaphoreType.DMA,
        ],
    )
    def run(o_hbm, slot_hbm, y_hbm, idx_v, rows_v, gs0):
        wid = lax.axis_index("s") * _NC + lax.axis_index("c")
        base = wid * tpw
        pltpu.sync_copy(slot_hbm.at[wid], idx_v)
        for k in range(nch):
            pltpu.async_copy(o_hbm.at[idx_v.at[k]], rows_v.at[0], gs0).wait()
            pltpu.sync_copy(rows_v.at[0], y_hbm.at[pl.ds(base + k * CH, CH)])

    return run(o, slot3d)


def _ffn_body(buf_ref, w1_ref, w2_ref, o_ref, acc_ref, *, E, NF):
    e = pl.program_id(0)
    fb = pl.program_id(1)

    @pl.when(e < E)
    def _compute():
        x = buf_ref[...].astype(jnp.bfloat16)
        h = jnp.maximum(
            jnp.dot(x, w1_ref[0].astype(jnp.bfloat16),
                    preferred_element_type=jnp.float32),
            0.0,
        )
        part = jnp.dot(h.astype(jnp.bfloat16),
                       w2_ref[0].astype(jnp.bfloat16),
                       preferred_element_type=jnp.float32)
        if NF == 1:
            o_ref[...] = part
        else:
            @pl.when(fb == 0)
            def _first():
                acc_ref[...] = part

            @pl.when(fb > 0)
            def _rest():
                acc = acc_ref[...] + part

                @pl.when(fb < NF - 1)
                def _store_acc():
                    acc_ref[...] = acc

                @pl.when(fb == NF - 1)
                def _store_out():
                    o_ref[...] = acc

    @pl.when(e == E)
    def _sentinel():
        o_ref[...] = jnp.zeros_like(o_ref)


def _ffn(buf, w1, w2, E, C, NF):
    d = buf.shape[1]
    f = w1.shape[2] // NF
    return pl.pallas_call(
        functools.partial(_ffn_body, E=E, NF=NF),
        grid=(E + 1, NF),
        in_specs=[
            pl.BlockSpec((C, d), lambda e, fb: (e, 0)),
            pl.BlockSpec((1, d, f),
                         lambda e, fb: (jnp.minimum(e, E - 1), 0, fb)),
            pl.BlockSpec((1, f, d),
                         lambda e, fb: (jnp.minimum(e, E - 1), fb, 0)),
        ],
        out_specs=pl.BlockSpec((C, d), lambda e, fb: (e, 0)),
        out_shape=jax.ShapeDtypeStruct(((E + 1) * C, d), jnp.float32),
        scratch_shapes=[pltpu.VMEM((C, d), jnp.float32)],
    )(buf, w1, w2)


def kernel(inputs, w_router, w1, w2):
    Bq, Sq, d = inputs.shape
    T = Bq * Sq
    E = w1.shape[0]
    C = int(1.25 * T / E)

    x2d = inputs.reshape(T, d)
    CH = 128
    nch = T // _NW // CH
    slot2d, xg = _route(x2d, w_router, E, C, R=1024)
    slot3d = slot2d.reshape(_NW, nch, CH)
    buf = _dispatch(xg, slot3d, n_rows=E * C + 8, CH=CH)
    o = _ffn(buf, w1, w2, E, C, NF=1)
    y = _combine(o, slot3d, T, CH=CH)
    return y.reshape(Bq, Sq, d)

# --- scband reference (transcript-rebuilt; emitter-appended) ---
"""Pipeline reference for scband-expert-layer-21981642621300 (READ-ONLY COPY).

The authoritative reference and input builder live on the scoring server;
editing this copy changes nothing except your own understanding.
"""

import jax, jax.numpy as jnp
import numpy as np

NUM_EXPERTS = 64
D_MODEL = 768
D_FF = 2048
B = 2
S = 4096
CAPACITY_FACTOR = 1.25


def setup_inputs(seed: int = 0) -> dict:
    key = jax.random.key(seed)
    k1, k2, k3, k4 = jax.random.split(key, 4)
    x = jax.random.normal(k1, (B, S, D_MODEL), dtype=jnp.float32)
    w_router = jax.random.normal(k2, (D_MODEL, NUM_EXPERTS), dtype=jnp.float32) * 0.02
    w1 = jax.random.normal(k3, (NUM_EXPERTS, D_MODEL, D_FF), dtype=jnp.float32) * 0.02
    w2 = jax.random.normal(k4, (NUM_EXPERTS, D_FF, D_MODEL), dtype=jnp.float32) * 0.02
    return {"inputs": x, "w_router": w_router, "w1": w1, "w2": w2}


def _moe_forward(inputs, w_router, w1, w2):
    Bq, Sq, d = inputs.shape
    T = Bq * Sq
    E = w1.shape[0]
    C = int(CAPACITY_FACTOR * T / E)
    xf = inputs.reshape(T, d)
    # Router: top-1 switch routing
    logits = xf @ w_router
    probs = jax.nn.softmax(logits, axis=-1)
    expert_idx = jnp.argmax(probs, axis=-1)
    gate = jnp.take_along_axis(probs, expert_idx[:, None], axis=-1)[:, 0]
    # Aux (load-balance) loss and z-loss; pushed to ExpertContext in the original.
    onehot = jax.nn.one_hot(expert_idx, E, dtype=probs.dtype)
    f = jnp.mean(onehot, axis=0)
    P = jnp.mean(probs, axis=0)
    aux_loss = E * jnp.sum(f * P)
    z = jax.scipy.special.logsumexp(logits, axis=-1)
    z_loss = jnp.mean(z ** 2)
    # Dispatching order: position of each token within its assigned expert
    pos = jnp.take_along_axis(jnp.cumsum(onehot, axis=0) - 1.0, expert_idx[:, None], axis=-1)[:, 0].astype(jnp.int32)
    keep = pos < C
    slot = jnp.where(keep, expert_idx.astype(jnp.int32) * C + pos, E * C)
    # Scatter tokens into per-expert capacity buffers (dropped tokens -> dummy row)
    buf = jnp.zeros((E * C + 1, d), dtype=inputs.dtype).at[slot].add(xf)
    ein = buf[:E * C].reshape(E, C, d)
    # Expert FFN (per-expert weights)
    h = jax.nn.relu(jnp.einsum('ecd,edf->ecf', ein, w1))
    o = jnp.einsum('ecf,efd->ecd', h, w2).reshape(E * C, d)
    o = jnp.concatenate([o, jnp.zeros((1, d), dtype=o.dtype)], axis=0)
    # Combine: gather back + gate
    y = o[slot] * gate[:, None] * keep[:, None].astype(o.dtype)
    return y.reshape(Bq, Sq, d), aux_loss, z_loss


def reference(inputs, w_router, w1, w2):
    out, aux_loss, z_loss = _moe_forward(inputs, w_router, w1, w2)
    return out

if __name__ == "__main__":
    import jax
    _d = setup_inputs()
    print(jax.jit(kernel)(*tuple(_d.values())))

</pallas_src>

<mosaic_0001>
#map = affine_map<(d0, d1) -> (0, 0)>
#map1 = affine_map<(d0, d1) -> (0, 0, 0)>
module attributes {stable_mosaic.version = 14 : i64} {
  func.func @run(%arg0: i32, %arg1: i32, %arg2: memref<10400x768xf32, #tpu.memory_space<hbm>>, %arg3: memref<32x2x128xi32, #tpu.memory_space<hbm>>, %arg4: memref<8192x768xf32, #tpu.memory_space<hbm>>, %arg5: memref<2x128xi32, #tpu.memory_space<vmem>>, %arg6: memref<1x128x768xf32, #tpu.memory_space<vmem>>, %arg7: memref<!tpu.dma_semaphore, #tpu.memory_space<semaphore_mem>>) attributes {dimension_semantics = [#tpu.dimension_semantics<core_parallel>, #tpu.dimension_semantics<subcore_parallel>], iteration_bounds = array<i64: 2, 16>, scalar_prefetch = 0 : i64, scratch_operands = 3 : i64, tpu.core_type = #tpu.core_type<sc_vector_subcore>, window_params = [{transform_indices = #map}, {transform_indices = #map1}, {transform_indices = #map}]} {
    %mul3A = arith.constant 2 : i32
    %mul3A_0 = arith.muli %arg1, %mul3A : i32
    %add3A = arith.addi %mul3A_0, %arg0 : i32
    %mul3A_1 = arith.constant 256 : i32
    %mul3A_2 = arith.muli %add3A, %mul3A_1 : i32
    "tpu.region"() ({
      %run_scoped3A_54 = tpu.sem_alloc : memref<!tpu.dma_semaphore, #tpu.memory_space<semaphore_mem>>
      %dma_start3A_55 = arith.constant 0 : i32
      %dma_start3A_56 = arith.constant 0 : i32
      %dma_start3A_57 = tpu.memref_slice %arg3[%add3A, %dma_start3A_55, %dma_start3A_56] : memref<32x2x128xi32, #tpu.memory_space<hbm>> -> memref<1x2x128xi32, #tpu.memory_space<hbm>>
      %dma_start3A_58 = tpu.memref_squeeze %dma_start3A_57 : memref<1x2x128xi32, #tpu.memory_space<hbm>> -> memref<2x128xi32, #tpu.memory_space<hbm>>
      %dma_start3A_59 = arith.constant 0 : i32
      %dma_start3A_60 = arith.constant 0 : i32
      %dma_start3A_61 = tpu.memref_slice %arg3[%add3A, %dma_start3A_59, %dma_start3A_60] : memref<32x2x128xi32, #tpu.memory_space<hbm>> -> memref<1x2x128xi32, #tpu.memory_space<hbm>>
      %dma_start3A_62 = tpu.memref_squeeze %dma_start3A_61 : memref<1x2x128xi32, #tpu.memory_space<hbm>> -> memref<2x128xi32, #tpu.memory_space<hbm>>
      tpu.enqueue_dma source(%dma_start3A_62 : memref<2x128xi32, #tpu.memory_space<hbm>>) target(%arg5 : memref<2x128xi32, #tpu.memory_space<vmem>>) target_semaphore(%run_scoped3A_54 : memref<!tpu.dma_semaphore, #tpu.memory_space<semaphore_mem>>)
      %dma_wait3A_63 = arith.constant 0 : i32
      %dma_wait3A_64 = arith.constant 0 : i32
      %dma_wait3A_65 = tpu.memref_slice %arg3[%add3A, %dma_wait3A_63, %dma_wait3A_64] : memref<32x2x128xi32, #tpu.memory_space<hbm>> -> memref<1x2x128xi32, #tpu.memory_space<hbm>>
      %dma_wait3A_66 = tpu.memref_squeeze %dma_wait3A_65 : memref<1x2x128xi32, #tpu.memory_space<hbm>> -> memref<2x128xi32, #tpu.memory_space<hbm>>
      %dma_wait3A_67 = arith.constant 0 : i32
      %dma_wait3A_68 = arith.constant 0 : i32
      %dma_wait3A_69 = tpu.memref_slice %arg3[%add3A, %dma_wait3A_67, %dma_wait3A_68] : memref<32x2x128xi32, #tpu.memory_space<hbm>> -> memref<1x2x128xi32, #tpu.memory_space<hbm>>
      %dma_wait3A_70 = tpu.memref_squeeze %dma_wait3A_69 : memref<1x2x128xi32, #tpu.memory_space<hbm>> -> memref<2x128xi32, #tpu.memory_space<hbm>>
      tpu.wait_dma2 semaphore(%run_scoped3A_54 : memref<!tpu.dma_semaphore, #tpu.memory_space<semaphore_mem>>) src(%dma_wait3A_70 : memref<2x128xi32, #tpu.memory_space<hbm>>) dst(%arg5 : memref<2x128xi32, #tpu.memory_space<vmem>>)
      tpu.yield
    }) : () -> ()
    %dma_start3A = arith.constant 0 : i32
    %dma_start3A_3 = arith.constant 0 : i32
    %dma_start3A_4 = arith.constant 0 : i32
    %dma_start3A_5 = arith.constant 0 : i32
    %dma_start3A_6 = tpu.memref_slice %arg6[%dma_start3A_3, %dma_start3A_4, %dma_start3A_5] : memref<1x128x768xf32, #tpu.memory_space<vmem>> -> memref<1x128x768xf32, #tpu.memory_space<vmem>>
    %dma_start3A_7 = tpu.memref_squeeze %dma_start3A_6 : memref<1x128x768xf32, #tpu.memory_space<vmem>> -> memref<128x768xf32, #tpu.memory_space<vmem>>
    %dma_start3A_8 = arith.constant 0 : i32
    %dma_start3A_9 = tpu.memref_slice %arg5[%dma_start3A, %dma_start3A_8] : memref<2x128xi32, #tpu.memory_space<vmem>> -> memref<1x128xi32, #tpu.memory_space<vmem>>
    %dma_start3A_10 = tpu.memref_squeeze %dma_start3A_9 : memref<1x128xi32, #tpu.memory_space<vmem>> -> memref<128xi32, #tpu.memory_space<vmem>>
    %dma_start3A_11 = arith.constant 0 : i32
    %dma_start3A_12 = arith.constant 0 : i32
    %dma_start3A_13 = tpu.memref_slice %arg2[%dma_start3A_11, %dma_start3A_12] : memref<10400x768xf32, #tpu.memory_space<hbm>> -> memref<10400x768xf32, #tpu.memory_space<hbm>>
    tpu.enqueue_indirect_dma source(%dma_start3A_13 : memref<10400x768xf32, #tpu.memory_space<hbm>>) target(%dma_start3A_7 : memref<128x768xf32, #tpu.memory_space<vmem>>) offsets(%dma_start3A_10 : memref<128xi32, #tpu.memory_space<vmem>>) semaphore(%arg7 : memref<!tpu.dma_semaphore, #tpu.memory_space<semaphore_mem>>)
    %dma_wait3A = arith.constant 0 : i32
    %dma_wait3A_14 = arith.constant 0 : i32
    %dma_wait3A_15 = arith.constant 0 : i32
    %dma_wait3A_16 = arith.constant 0 : i32
    %dma_wait3A_17 = tpu.memref_slice %arg6[%dma_wait3A_14, %dma_wait3A_15, %dma_wait3A_16] : memref<1x128x768xf32, #tpu.memory_space<vmem>> -> memref<1x128x768xf32, #tpu.memory_space<vmem>>
    %dma_wait3A_18 = tpu.memref_squeeze %dma_wait3A_17 : memref<1x128x768xf32, #tpu.memory_space<vmem>> -> memref<128x768xf32, #tpu.memory_space<vmem>>
    %dma_wait3A_19 = arith.constant 0 : i32
    %dma_wait3A_20 = tpu.memref_slice %arg5[%dma_wait3A, %dma_wait3A_19] : memref<2x128xi32, #tpu.memory_space<vmem>> -> memref<1x128xi32, #tpu.memory_space<vmem>>
    %dma_wait3A_21 = tpu.memref_squeeze %dma_wait3A_20 : memref<1x128xi32, #tpu.memory_space<vmem>> -> memref<128xi32, #tpu.memory_space<vmem>>
    %dma_wait3A_22 = arith.constant 0 : i32
    %dma_wait3A_23 = arith.constant 0 : i32
    %dma_wait3A_24 = tpu.memref_slice %arg2[%dma_wait3A_22, %dma_wait3A_23] : memref<10400x768xf32, #tpu.memory_space<hbm>> -> memref<10400x768xf32, #tpu.memory_space<hbm>>
    tpu.wait_indirect_dma semaphore(%arg7 : memref<!tpu.dma_semaphore, #tpu.memory_space<semaphore_mem>>) src(%dma_wait3A_24 : memref<10400x768xf32, #tpu.memory_space<hbm>>) dst(%dma_wait3A_18 : memref<128x768xf32, #tpu.memory_space<vmem>>)
    %add3A_25 = arith.constant 0 : i32
    %add3A_26 = arith.addi %mul3A_2, %add3A_25 : i32
    %run_scoped3A = arith.constant 0 : i32
    "tpu.region"() ({
      %run_scoped3A_54 = tpu.sem_alloc : memref<!tpu.dma_semaphore, #tpu.memory_space<semaphore_mem>>
      %dma_start3A_55 = arith.constant 0 : i32
      %dma_start3A_56 = arith.constant 0 : i32
      %dma_start3A_57 = tpu.memref_slice %arg6[%run_scoped3A, %dma_start3A_55, %dma_start3A_56] : memref<1x128x768xf32, #tpu.memory_space<vmem>> -> memref<1x128x768xf32, #tpu.memory_space<vmem>>
      %dma_start3A_58 = tpu.memref_squeeze %dma_start3A_57 : memref<1x128x768xf32, #tpu.memory_space<vmem>> -> memref<128x768xf32, #tpu.memory_space<vmem>>
      %dma_start3A_59 = arith.constant 0 : i32
      %dma_start3A_60 = tpu.memref_slice %arg4[%add3A_26, %dma_start3A_59] : memref<8192x768xf32, #tpu.memory_space<hbm>> -> memref<128x768xf32, #tpu.memory_space<hbm>>
      %dma_start3A_61 = arith.constant 0 : i32
      %dma_start3A_62 = tpu.memref_slice %arg4[%add3A_26, %dma_start3A_61] : memref<8192x768xf32, #tpu.memory_space<hbm>> -> memref<128x768xf32, #tpu.memory_space<hbm>>
      %dma_start3A_63 = arith.constant 0 : i32
      %dma_start3A_64 = arith.constant 0 : i32
      %dma_start3A_65 = tpu.memref_slice %arg6[%run_scoped3A, %dma_start3A_63, %dma_start3A_64] : memref<1x128x768xf32, #tpu.memory_space<vmem>> -> memref<1x128x768xf32, #tpu.memory_space<vmem>>
      %dma_start3A_66 = tpu.memref_squeeze %dma_start3A_65 : memref<1x128x768xf32, #tpu.memory_space<vmem>> -> memref<128x768xf32, #tpu.memory_space<vmem>>
      tpu.enqueue_dma source(%dma_start3A_66 : memref<128x768xf32, #tpu.memory_space<vmem>>) target(%dma_start3A_62 : memref<128x768xf32, #tpu.memory_space<hbm>>) target_semaphore(%run_scoped3A_54 : memref<!tpu.dma_semaphore, #tpu.memory_space<semaphore_mem>>)
      %dma_wait3A_67 = arith.constant 0 : i32
      %dma_wait3A_68 = arith.constant 0 : i32
      %dma_wait3A_69 = tpu.memref_slice %arg6[%run_scoped3A, %dma_wait3A_67, %dma_wait3A_68] : memref<1x128x768xf32, #tpu.memory_space<vmem>> -> memref<1x128x768xf32, #tpu.memory_space<vmem>>
      %dma_wait3A_70 = tpu.memref_squeeze %dma_wait3A_69 : memref<1x128x768xf32, #tpu.memory_space<vmem>> -> memref<128x768xf32, #tpu.memory_space<vmem>>
      %dma_wait3A_71 = arith.constant 0 : i32
      %dma_wait3A_72 = tpu.memref_slice %arg4[%add3A_26, %dma_wait3A_71] : memref<8192x768xf32, #tpu.memory_space<hbm>> -> memref<128x768xf32, #tpu.memory_space<hbm>>
      %dma_wait3A_73 = arith.constant 0 : i32
      %dma_wait3A_74 = tpu.memref_slice %arg4[%add3A_26, %dma_wait3A_73] : memref<8192x768xf32, #tpu.memory_space<hbm>> -> memref<128x768xf32, #tpu.memory_space<hbm>>
      %dma_wait3A_75 = arith.constant 0 : i32
      %dma_wait3A_76 = arith.constant 0 : i32
      %dma_wait3A_77 = tpu.memref_slice %arg6[%run_scoped3A, %dma_wait3A_75, %dma_wait3A_76] : memref<1x128x768xf32, #tpu.memory_space<vmem>> -> memref<1x128x768xf32, #tpu.memory_space<vmem>>
      %dma_wait3A_78 = tpu.memref_squeeze %dma_wait3A_77 : memref<1x128x768xf32, #tpu.memory_space<vmem>> -> memref<128x768xf32, #tpu.memory_space<vmem>>
      tpu.wait_dma2 semaphore(%run_scoped3A_54 : memref<!tpu.dma_semaphore, #tpu.memory_space<semaphore_mem>>) src(%dma_wait3A_78 : memref<128x768xf32, #tpu.memory_space<vmem>>) dst(%dma_wait3A_74 : memref<128x768xf32, #tpu.memory_space<hbm>>)
      tpu.yield
    }) : () -> ()
    %dma_start3A_27 = arith.constant 1 : i32
    %dma_start3A_28 = arith.constant 0 : i32
    %dma_start3A_29 = arith.constant 0 : i32
    %dma_start3A_30 = arith.constant 0 : i32
    %dma_start3A_31 = tpu.memref_slice %arg6[%dma_start3A_28, %dma_start3A_29, %dma_start3A_30] : memref<1x128x768xf32, #tpu.memory_space<vmem>> -> memref<1x128x768xf32, #tpu.memory_space<vmem>>
    %dma_start3A_32 = tpu.memref_squeeze %dma_start3A_31 : memref<1x128x768xf32, #tpu.memory_space<vmem>> -> memref<128x768xf32, #tpu.memory_space<vmem>>
    %dma_start3A_33 = arith.constant 0 : i32
    %dma_start3A_34 = tpu.memref_slice %arg5[%dma_start3A_27, %dma_start3A_33] : memref<2x128xi32, #tpu.memory_space<vmem>> -> memref<1x128xi32, #tpu.memory_space<vmem>>
    %dma_start3A_35 = tpu.memref_squeeze %dma_start3A_34 : memref<1x128xi32, #tpu.memory_space<vmem>> -> memref<128xi32, #tpu.memory_space<vmem>>
    %dma_start3A_36 = arith.constant 0 : i32
    %dma_start3A_37 = arith.constant 0 : i32
    %dma_start3A_38 = tpu.memref_slice %arg2[%dma_start3A_36, %dma_start3A_37] : memref<10400x768xf32, #tpu.memory_space<hbm>> -> memref<10400x768xf32, #tpu.memory_space<hbm>>
    tpu.enqueue_indirect_dma source(%dma_start3A_38 : memref<10400x768xf32, #tpu.memory_space<hbm>>) target(%dma_start3A_32 : memref<128x768xf32, #tpu.memory_space<vmem>>) offsets(%dma_start3A_35 : memref<128xi32, #tpu.memory_space<vmem>>) semaphore(%arg7 : memref<!tpu.dma_semaphore, #tpu.memory_space<semaphore_mem>>)
    %dma_wait3A_39 = arith.constant 1 : i32
    %dma_wait3A_40 = arith.constant 0 : i32
    %dma_wait3A_41 = arith.constant 0 : i32
    %dma_wait3A_42 = arith.constant 0 : i32
    %dma_wait3A_43 = tpu.memref_slice %arg6[%dma_wait3A_40, %dma_wait3A_41, %dma_wait3A_42] : memref<1x128x768xf32, #tpu.memory_space<vmem>> -> memref<1x128x768xf32, #tpu.memory_space<vmem>>
    %dma_wait3A_44 = tpu.memref_squeeze %dma_wait3A_43 : memref<1x128x768xf32, #tpu.memory_space<vmem>> -> memref<128x768xf32, #tpu.memory_space<vmem>>
    %dma_wait3A_45 = arith.constant 0 : i32
    %dma_wait3A_46 = tpu.memref_slice %arg5[%dma_wait3A_39, %dma_wait3A_45] : memref<2x128xi32, #tpu.memory_space<vmem>> -> memref<1x128xi32, #tpu.memory_space<vmem>>
    %dma_wait3A_47 = tpu.memref_squeeze %dma_wait3A_46 : memref<1x128xi32, #tpu.memory_space<vmem>> -> memref<128xi32, #tpu.memory_space<vmem>>
    %dma_wait3A_48 = arith.constant 0 : i32
    %dma_wait3A_49 = arith.constant 0 : i32
    %dma_wait3A_50 = tpu.memref_slice %arg2[%dma_wait3A_48, %dma_wait3A_49] : memref<10400x768xf32, #tpu.memory_space<hbm>> -> memref<10400x768xf32, #tpu.memory_space<hbm>>
    tpu.wait_indirect_dma semaphore(%arg7 : memref<!tpu.dma_semaphore, #tpu.memory_space<semaphore_mem>>) src(%dma_wait3A_50 : memref<10400x768xf32, #tpu.memory_space<hbm>>) dst(%dma_wait3A_44 : memref<128x768xf32, #tpu.memory_space<vmem>>)
    %add3A_51 = arith.constant 128 : i32
    %add3A_52 = arith.addi %mul3A_2, %add3A_51 : i32
    %run_scoped3A_53 = arith.constant 0 : i32
    "tpu.region"() ({
      %run_scoped3A_54 = tpu.sem_alloc : memref<!tpu.dma_semaphore, #tpu.memory_space<semaphore_mem>>
      %dma_start3A_55 = arith.constant 0 : i32
      %dma_start3A_56 = arith.constant 0 : i32
      %dma_start3A_57 = tpu.memref_slice %arg6[%run_scoped3A_53, %dma_start3A_55, %dma_start3A_56] : memref<1x128x768xf32, #tpu.memory_space<vmem>> -> memref<1x128x768xf32, #tpu.memory_space<vmem>>
      %dma_start3A_58 = tpu.memref_squeeze %dma_start3A_57 : memref<1x128x768xf32, #tpu.memory_space<vmem>> -> memref<128x768xf32, #tpu.memory_space<vmem>>
      %dma_start3A_59 = arith.constant 0 : i32
      %dma_start3A_60 = tpu.memref_slice %arg4[%add3A_52, %dma_start3A_59] : memref<8192x768xf32, #tpu.memory_space<hbm>> -> memref<128x768xf32, #tpu.memory_space<hbm>>
      %dma_start3A_61 = arith.constant 0 : i32
      %dma_start3A_62 = tpu.memref_slice %arg4[%add3A_52, %dma_start3A_61] : memref<8192x768xf32, #tpu.memory_space<hbm>> -> memref<128x768xf32, #tpu.memory_space<hbm>>
      %dma_start3A_63 = arith.constant 0 : i32
      %dma_start3A_64 = arith.constant 0 : i32
      %dma_start3A_65 = tpu.memref_slice %arg6[%run_scoped3A_53, %dma_start3A_63, %dma_start3A_64] : memref<1x128x768xf32, #tpu.memory_space<vmem>> -> memref<1x128x768xf32, #tpu.memory_space<vmem>>
      %dma_start3A_66 = tpu.memref_squeeze %dma_start3A_65 : memref<1x128x768xf32, #tpu.memory_space<vmem>> -> memref<128x768xf32, #tpu.memory_space<vmem>>
      tpu.enqueue_dma source(%dma_start3A_66 : memref<128x768xf32, #tpu.memory_space<vmem>>) target(%dma_start3A_62 : memref<128x768xf32, #tpu.memory_space<hbm>>) target_semaphore(%run_scoped3A_54 : memref<!tpu.dma_semaphore, #tpu.memory_space<semaphore_mem>>)
      %dma_wait3A_67 = arith.constant 0 : i32
      %dma_wait3A_68 = arith.constant 0 : i32
      %dma_wait3A_69 = tpu.memref_slice %arg6[%run_scoped3A_53, %dma_wait3A_67, %dma_wait3A_68] : memref<1x128x768xf32, #tpu.memory_space<vmem>> -> memref<1x128x768xf32, #tpu.memory_space<vmem>>
      %dma_wait3A_70 = tpu.memref_squeeze %dma_wait3A_69 : memref<1x128x768xf32, #tpu.memory_space<vmem>> -> memref<128x768xf32, #tpu.memory_space<vmem>>
      %dma_wait3A_71 = arith.constant 0 : i32
      %dma_wait3A_72 = tpu.memref_slice %arg4[%add3A_52, %dma_wait3A_71] : memref<8192x768xf32, #tpu.memory_space<hbm>> -> memref<128x768xf32, #tpu.memory_space<hbm>>
      %dma_wait3A_73 = arith.constant 0 : i32
      %dma_wait3A_74 = tpu.memref_slice %arg4[%add3A_52, %dma_wait3A_73] : memref<8192x768xf32, #tpu.memory_space<hbm>> -> memref<128x768xf32, #tpu.memory_space<hbm>>
      %dma_wait3A_75 = arith.constant 0 : i32
      %dma_wait3A_76 = arith.constant 0 : i32
      %dma_wait3A_77 = tpu.memref_slice %arg6[%run_scoped3A_53, %dma_wait3A_75, %dma_wait3A_76] : memref<1x128x768xf32, #tpu.memory_space<vmem>> -> memref<1x128x768xf32, #tpu.memory_space<vmem>>
      %dma_wait3A_78 = tpu.memref_squeeze %dma_wait3A_77 : memref<1x128x768xf32, #tpu.memory_space<vmem>> -> memref<128x768xf32, #tpu.memory_space<vmem>>
      tpu.wait_dma2 semaphore(%run_scoped3A_54 : memref<!tpu.dma_semaphore, #tpu.memory_space<semaphore_mem>>) src(%dma_wait3A_78 : memref<128x768xf32, #tpu.memory_space<vmem>>) dst(%dma_wait3A_74 : memref<128x768xf32, #tpu.memory_space<hbm>>)
      tpu.yield
    }) : () -> ()
    return
  }
}

#map = affine_map<(d0, d1) -> (0, 0)>
#map1 = affine_map<(d0, d1) -> (0, 0, 0)>
module attributes {stable_mosaic.version = 14 : i64} {
  func.func @run(%arg0: i32, %arg1: i32, %arg2: memref<8192x768xf32, #tpu.memory_space<hbm>>, %arg3: memref<32x2x128xi32, #tpu.memory_space<hbm>>, %arg4: memref<10248x768xf32, #tpu.memory_space<hbm>>, %arg5: memref<2x128xi32, #tpu.memory_space<vmem>>, %arg6: memref<1x128x768xf32, #tpu.memory_space<vmem>>, %arg7: memref<!tpu.dma_semaphore, #tpu.memory_space<semaphore_mem>>) attributes {dimension_semantics = [#tpu.dimension_semantics<core_parallel>, #tpu.dimension_semantics<subcore_parallel>], iteration_bounds = array<i64: 2, 16>, scalar_prefetch = 0 : i64, scratch_operands = 3 : i64, tpu.core_type = #tpu.core_type<sc_vector_subcore>, window_params = [{transform_indices = #map}, {transform_indices = #map1}, {transform_indices = #map}]} {
    %mul3A = arith.constant 2 : i32
    %mul3A_0 = arith.muli %arg1, %mul3A : i32
    %add3A = arith.addi %mul3A_0, %arg0 : i32
    %mul3A_1 = arith.constant 256 : i32
    %mul3A_2 = arith.muli %add3A, %mul3A_1 : i32
    "tpu.region"() ({
      %run_scoped3A_54 = tpu.sem_alloc : memref<!tpu.dma_semaphore, #tpu.memory_space<semaphore_mem>>
      %dma_start3A_55 = arith.constant 0 : i32
      %dma_start3A_56 = arith.constant 0 : i32
      %dma_start3A_57 = tpu.memref_slice %arg3[%add3A, %dma_start3A_55, %dma_start3A_56] : memref<32x2x128xi32, #tpu.memory_space<hbm>> -> memref<1x2x128xi32, #tpu.memory_space<hbm>>
      %dma_start3A_58 = tpu.memref_squeeze %dma_start3A_57 : memref<1x2x128xi32, #tpu.memory_space<hbm>> -> memref<2x128xi32, #tpu.memory_space<hbm>>
      %dma_start3A_59 = arith.constant 0 : i32
      %dma_start3A_60 = arith.constant 0 : i32
      %dma_start3A_61 = tpu.memref_slice %arg3[%add3A, %dma_start3A_59, %dma_start3A_60] : memref<32x2x128xi32, #tpu.memory_space<hbm>> -> memref<1x2x128xi32, #tpu.memory_space<hbm>>
      %dma_start3A_62 = tpu.memref_squeeze %dma_start3A_61 : memref<1x2x128xi32, #tpu.memory_space<hbm>> -> memref<2x128xi32, #tpu.memory_space<hbm>>
      tpu.enqueue_dma source(%dma_start3A_62 : memref<2x128xi32, #tpu.memory_space<hbm>>) target(%arg5 : memref<2x128xi32, #tpu.memory_space<vmem>>) target_semaphore(%run_scoped3A_54 : memref<!tpu.dma_semaphore, #tpu.memory_space<semaphore_mem>>)
      %dma_wait3A_63 = arith.constant 0 : i32
      %dma_wait3A_64 = arith.constant 0 : i32
      %dma_wait3A_65 = tpu.memref_slice %arg3[%add3A, %dma_wait3A_63, %dma_wait3A_64] : memref<32x2x128xi32, #tpu.memory_space<hbm>> -> memref<1x2x128xi32, #tpu.memory_space<hbm>>
      %dma_wait3A_66 = tpu.memref_squeeze %dma_wait3A_65 : memref<1x2x128xi32, #tpu.memory_space<hbm>> -> memref<2x128xi32, #tpu.memory_space<hbm>>
      %dma_wait3A_67 = arith.constant 0 : i32
      %dma_wait3A_68 = arith.constant 0 : i32
      %dma_wait3A_69 = tpu.memref_slice %arg3[%add3A, %dma_wait3A_67, %dma_wait3A_68] : memref<32x2x128xi32, #tpu.memory_space<hbm>> -> memref<1x2x128xi32, #tpu.memory_space<hbm>>
      %dma_wait3A_70 = tpu.memref_squeeze %dma_wait3A_69 : memref<1x2x128xi32, #tpu.memory_space<hbm>> -> memref<2x128xi32, #tpu.memory_space<hbm>>
      tpu.wait_dma2 semaphore(%run_scoped3A_54 : memref<!tpu.dma_semaphore, #tpu.memory_space<semaphore_mem>>) src(%dma_wait3A_70 : memref<2x128xi32, #tpu.memory_space<hbm>>) dst(%arg5 : memref<2x128xi32, #tpu.memory_space<vmem>>)
      tpu.yield
    }) : () -> ()
    %add3A_3 = arith.constant 0 : i32
    %add3A_4 = arith.addi %mul3A_2, %add3A_3 : i32
    %run_scoped3A = arith.constant 0 : i32
    "tpu.region"() ({
      %run_scoped3A_54 = tpu.sem_alloc : memref<!tpu.dma_semaphore, #tpu.memory_space<semaphore_mem>>
      %dma_start3A_55 = arith.constant 0 : i32
      %dma_start3A_56 = arith.constant 0 : i32
      %dma_start3A_57 = tpu.memref_slice %arg6[%run_scoped3A, %dma_start3A_55, %dma_start3A_56] : memref<1x128x768xf32, #tpu.memory_space<vmem>> -> memref<1x128x768xf32, #tpu.memory_space<vmem>>
      %dma_start3A_58 = tpu.memref_squeeze %dma_start3A_57 : memref<1x128x768xf32, #tpu.memory_space<vmem>> -> memref<128x768xf32, #tpu.memory_space<vmem>>
      %dma_start3A_59 = arith.constant 0 : i32
      %dma_start3A_60 = tpu.memref_slice %arg2[%add3A_4, %dma_start3A_59] : memref<8192x768xf32, #tpu.memory_space<hbm>> -> memref<128x768xf32, #tpu.memory_space<hbm>>
      %dma_start3A_61 = arith.constant 0 : i32
      %dma_start3A_62 = arith.constant 0 : i32
      %dma_start3A_63 = tpu.memref_slice %arg6[%run_scoped3A, %dma_start3A_61, %dma_start3A_62] : memref<1x128x768xf32, #tpu.memory_space<vmem>> -> memref<1x128x768xf32, #tpu.memory_space<vmem>>
      %dma_start3A_64 = tpu.memref_squeeze %dma_start3A_63 : memref<1x128x768xf32, #tpu.memory_space<vmem>> -> memref<128x768xf32, #tpu.memory_space<vmem>>
      %dma_start3A_65 = arith.constant 0 : i32
      %dma_start3A_66 = tpu.memref_slice %arg2[%add3A_4, %dma_start3A_65] : memref<8192x768xf32, #tpu.memory_space<hbm>> -> memref<128x768xf32, #tpu.memory_space<hbm>>
      tpu.enqueue_dma source(%dma_start3A_66 : memref<128x768xf32, #tpu.memory_space<hbm>>) target(%dma_start3A_64 : memref<128x768xf32, #tpu.memory_space<vmem>>) target_semaphore(%run_scoped3A_54 : memref<!tpu.dma_semaphore, #tpu.memory_space<semaphore_mem>>)
      %dma_wait3A_67 = arith.constant 0 : i32
      %dma_wait3A_68 = arith.constant 0 : i32
      %dma_wait3A_69 = tpu.memref_slice %arg6[%run_scoped3A, %dma_wait3A_67, %dma_wait3A_68] : memref<1x128x768xf32, #tpu.memory_space<vmem>> -> memref<1x128x768xf32, #tpu.memory_space<vmem>>
      %dma_wait3A_70 = tpu.memref_squeeze %dma_wait3A_69 : memref<1x128x768xf32, #tpu.memory_space<vmem>> -> memref<128x768xf32, #tpu.memory_space<vmem>>
      %dma_wait3A_71 = arith.constant 0 : i32
      %dma_wait3A_72 = tpu.memref_slice %arg2[%add3A_4, %dma_wait3A_71] : memref<8192x768xf32, #tpu.memory_space<hbm>> -> memref<128x768xf32, #tpu.memory_space<hbm>>
      %dma_wait3A_73 = arith.constant 0 : i32
      %dma_wait3A_74 = arith.constant 0 : i32
      %dma_wait3A_75 = tpu.memref_slice %arg6[%run_scoped3A, %dma_wait3A_73, %dma_wait3A_74] : memref<1x128x768xf32, #tpu.memory_space<vmem>> -> memref<1x128x768xf32, #tpu.memory_space<vmem>>
      %dma_wait3A_76 = tpu.memref_squeeze %dma_wait3A_75 : memref<1x128x768xf32, #tpu.memory_space<vmem>> -> memref<128x768xf32, #tpu.memory_space<vmem>>
      %dma_wait3A_77 = arith.constant 0 : i32
      %dma_wait3A_78 = tpu.memref_slice %arg2[%add3A_4, %dma_wait3A_77] : memref<8192x768xf32, #tpu.memory_space<hbm>> -> memref<128x768xf32, #tpu.memory_space<hbm>>
      tpu.wait_dma2 semaphore(%run_scoped3A_54 : memref<!tpu.dma_semaphore, #tpu.memory_space<semaphore_mem>>) src(%dma_wait3A_78 : memref<128x768xf32, #tpu.memory_space<hbm>>) dst(%dma_wait3A_76 : memref<128x768xf32, #tpu.memory_space<vmem>>)
      tpu.yield
    }) : () -> ()
    %dma_start3A = arith.constant 0 : i32
    %dma_start3A_5 = arith.constant 0 : i32
    %dma_start3A_6 = arith.constant 0 : i32
    %dma_start3A_7 = arith.constant 0 : i32
    %dma_start3A_8 = tpu.memref_slice %arg6[%dma_start3A, %dma_start3A_6, %dma_start3A_7] : memref<1x128x768xf32, #tpu.memory_space<vmem>> -> memref<1x128x768xf32, #tpu.memory_space<vmem>>
    %dma_start3A_9 = tpu.memref_squeeze %dma_start3A_8 : memref<1x128x768xf32, #tpu.memory_space<vmem>> -> memref<128x768xf32, #tpu.memory_space<vmem>>
    %dma_start3A_10 = arith.constant 0 : i32
    %dma_start3A_11 = tpu.memref_slice %arg5[%dma_start3A_5, %dma_start3A_10] : memref<2x128xi32, #tpu.memory_space<vmem>> -> memref<1x128xi32, #tpu.memory_space<vmem>>
    %dma_start3A_12 = tpu.memref_squeeze %dma_start3A_11 : memref<1x128xi32, #tpu.memory_space<vmem>> -> memref<128xi32, #tpu.memory_space<vmem>>
    %dma_start3A_13 = arith.constant 0 : i32
    %dma_start3A_14 = arith.constant 0 : i32
    %dma_start3A_15 = tpu.memref_slice %arg4[%dma_start3A_13, %dma_start3A_14] : memref<10248x768xf32, #tpu.memory_space<hbm>> -> memref<10248x768xf32, #tpu.memory_space<hbm>>
    tpu.enqueue_indirect_dma source(%dma_start3A_9 : memref<128x768xf32, #tpu.memory_space<vmem>>) target(%dma_start3A_15 : memref<10248x768xf32, #tpu.memory_space<hbm>>) offsets(%dma_start3A_12 : memref<128xi32, #tpu.memory_space<vmem>>) semaphore(%arg7 : memref<!tpu.dma_semaphore, #tpu.memory_space<semaphore_mem>>)
    %dma_wait3A = arith.constant 0 : i32
    %dma_wait3A_16 = arith.constant 0 : i32
    %dma_wait3A_17 = arith.constant 0 : i32
    %dma_wait3A_18 = arith.constant 0 : i32
    %dma_wait3A_19 = tpu.memref_slice %arg6[%dma_wait3A, %dma_wait3A_17, %dma_wait3A_18] : memref<1x128x768xf32, #tpu.memory_space<vmem>> -> memref<1x128x768xf32, #tpu.memory_space<vmem>>
    %dma_wait3A_20 = tpu.memref_squeeze %dma_wait3A_19 : memref<1x128x768xf32, #tpu.memory_space<vmem>> -> memref<128x768xf32, #tpu.memory_space<vmem>>
    %dma_wait3A_21 = arith.constant 0 : i32
    %dma_wait3A_22 = tpu.memref_slice %arg5[%dma_wait3A_16, %dma_wait3A_21] : memref<2x128xi32, #tpu.memory_space<vmem>> -> memref<1x128xi32, #tpu.memory_space<vmem>>
    %dma_wait3A_23 = tpu.memref_squeeze %dma_wait3A_22 : memref<1x128xi32, #tpu.memory_space<vmem>> -> memref<128xi32, #tpu.memory_space<vmem>>
    %dma_wait3A_24 = arith.constant 0 : i32
    %dma_wait3A_25 = arith.constant 0 : i32
    %dma_wait3A_26 = tpu.memref_slice %arg4[%dma_wait3A_24, %dma_wait3A_25] : memref<10248x768xf32, #tpu.memory_space<hbm>> -> memref<10248x768xf32, #tpu.memory_space<hbm>>
    tpu.wait_indirect_dma semaphore(%arg7 : memref<!tpu.dma_semaphore, #tpu.memory_space<semaphore_mem>>) src(%dma_wait3A_20 : memref<128x768xf32, #tpu.memory_space<vmem>>) dst(%dma_wait3A_26 : memref<10248x768xf32, #tpu.memory_space<hbm>>)
    %add3A_27 = arith.constant 128 : i32
    %add3A_28 = arith.addi %mul3A_2, %add3A_27 : i32
    %run_scoped3A_29 = arith.constant 0 : i32
    "tpu.region"() ({
      %run_scoped3A_54 = tpu.sem_alloc : memref<!tpu.dma_semaphore, #tpu.memory_space<semaphore_mem>>
      %dma_start3A_55 = arith.constant 0 : i32
      %dma_start3A_56 = arith.constant 0 : i32
      %dma_start3A_57 = tpu.memref_slice %arg6[%run_scoped3A_29, %dma_start3A_55, %dma_start3A_56] : memref<1x128x768xf32, #tpu.memory_space<vmem>> -> memref<1x128x768xf32, #tpu.memory_space<vmem>>
      %dma_start3A_58 = tpu.memref_squeeze %dma_start3A_57 : memref<1x128x768xf32, #tpu.memory_space<vmem>> -> memref<128x768xf32, #tpu.memory_space<vmem>>
      %dma_start3A_59 = arith.constant 0 : i32
      %dma_start3A_60 = tpu.memref_slice %arg2[%add3A_28, %dma_start3A_59] : memref<8192x768xf32, #tpu.memory_space<hbm>> -> memref<128x768xf32, #tpu.memory_space<hbm>>
      %dma_start3A_61 = arith.constant 0 : i32
      %dma_start3A_62 = arith.constant 0 : i32
      %dma_start3A_63 = tpu.memref_slice %arg6[%run_scoped3A_29, %dma_start3A_61, %dma_start3A_62] : memref<1x128x768xf32, #tpu.memory_space<vmem>> -> memref<1x128x768xf32, #tpu.memory_space<vmem>>
      %dma_start3A_64 = tpu.memref_squeeze %dma_start3A_63 : memref<1x128x768xf32, #tpu.memory_space<vmem>> -> memref<128x768xf32, #tpu.memory_space<vmem>>
      %dma_start3A_65 = arith.constant 0 : i32
      %dma_start3A_66 = tpu.memref_slice %arg2[%add3A_28, %dma_start3A_65] : memref<8192x768xf32, #tpu.memory_space<hbm>> -> memref<128x768xf32, #tpu.memory_space<hbm>>
      tpu.enqueue_dma source(%dma_start3A_66 : memref<128x768xf32, #tpu.memory_space<hbm>>) target(%dma_start3A_64 : memref<128x768xf32, #tpu.memory_space<vmem>>) target_semaphore(%run_scoped3A_54 : memref<!tpu.dma_semaphore, #tpu.memory_space<semaphore_mem>>)
      %dma_wait3A_67 = arith.constant 0 : i32
      %dma_wait3A_68 = arith.constant 0 : i32
      %dma_wait3A_69 = tpu.memref_slice %arg6[%run_scoped3A_29, %dma_wait3A_67, %dma_wait3A_68] : memref<1x128x768xf32, #tpu.memory_space<vmem>> -> memref<1x128x768xf32, #tpu.memory_space<vmem>>
      %dma_wait3A_70 = tpu.memref_squeeze %dma_wait3A_69 : memref<1x128x768xf32, #tpu.memory_space<vmem>> -> memref<128x768xf32, #tpu.memory_space<vmem>>
      %dma_wait3A_71 = arith.constant 0 : i32
      %dma_wait3A_72 = tpu.memref_slice %arg2[%add3A_28, %dma_wait3A_71] : memref<8192x768xf32, #tpu.memory_space<hbm>> -> memref<128x768xf32, #tpu.memory_space<hbm>>
      %dma_wait3A_73 = arith.constant 0 : i32
      %dma_wait3A_74 = arith.constant 0 : i32
      %dma_wait3A_75 = tpu.memref_slice %arg6[%run_scoped3A_29, %dma_wait3A_73, %dma_wait3A_74] : memref<1x128x768xf32, #tpu.memory_space<vmem>> -> memref<1x128x768xf32, #tpu.memory_space<vmem>>
      %dma_wait3A_76 = tpu.memref_squeeze %dma_wait3A_75 : memref<1x128x768xf32, #tpu.memory_space<vmem>> -> memref<128x768xf32, #tpu.memory_space<vmem>>
      %dma_wait3A_77 = arith.constant 0 : i32
      %dma_wait3A_78 = tpu.memref_slice %arg2[%add3A_28, %dma_wait3A_77] : memref<8192x768xf32, #tpu.memory_space<hbm>> -> memref<128x768xf32, #tpu.memory_space<hbm>>
      tpu.wait_dma2 semaphore(%run_scoped3A_54 : memref<!tpu.dma_semaphore, #tpu.memory_space<semaphore_mem>>) src(%dma_wait3A_78 : memref<128x768xf32, #tpu.memory_space<hbm>>) dst(%dma_wait3A_76 : memref<128x768xf32, #tpu.memory_space<vmem>>)
      tpu.yield
    }) : () -> ()
    %dma_start3A_30 = arith.constant 0 : i32
    %dma_start3A_31 = arith.constant 1 : i32
    %dma_start3A_32 = arith.constant 0 : i32
    %dma_start3A_33 = arith.constant 0 : i32
    %dma_start3A_34 = tpu.memref_slice %arg6[%dma_start3A_30, %dma_start3A_32, %dma_start3A_33] : memref<1x128x768xf32, #tpu.memory_space<vmem>> -> memref<1x128x768xf32, #tpu.memory_space<vmem>>
    %dma_start3A_35 = tpu.memref_squeeze %dma_start3A_34 : memref<1x128x768xf32, #tpu.memory_space<vmem>> -> memref<128x768xf32, #tpu.memory_space<vmem>>
    %dma_start3A_36 = arith.constant 0 : i32
    %dma_start3A_37 = tpu.memref_slice %arg5[%dma_start3A_31, %dma_start3A_36] : memref<2x128xi32, #tpu.memory_space<vmem>> -> memref<1x128xi32, #tpu.memory_space<vmem>>
    %dma_start3A_38 = tpu.memref_squeeze %dma_start3A_37 : memref<1x128xi32, #tpu.memory_space<vmem>> -> memref<128xi32, #tpu.memory_space<vmem>>
    %dma_start3A_39 = arith.constant 0 : i32
    %dma_start3A_40 = arith.constant 0 : i32
    %dma_start3A_41 = tpu.memref_slice %arg4[%dma_start3A_39, %dma_start3A_40] : memref<10248x768xf32, #tpu.memory_space<hbm>> -> memref<10248x768xf32, #tpu.memory_space<hbm>>
    tpu.enqueue_indirect_dma source(%dma_start3A_35 : memref<128x768xf32, #tpu.memory_space<vmem>>) target(%dma_start3A_41 : memref<10248x768xf32, #tpu.memory_space<hbm>>) offsets(%dma_start3A_38 : memref<128xi32, #tpu.memory_space<vmem>>) semaphore(%arg7 : memref<!tpu.dma_semaphore, #tpu.memory_space<semaphore_mem>>)
    %dma_wait3A_42 = arith.constant 0 : i32
    %dma_wait3A_43 = arith.constant 1 : i32
    %dma_wait3A_44 = arith.constant 0 : i32
    %dma_wait3A_45 = arith.constant 0 : i32
    %dma_wait3A_46 = tpu.memref_slice %arg6[%dma_wait3A_42, %dma_wait3A_44, %dma_wait3A_45] : memref<1x128x768xf32, #tpu.memory_space<vmem>> -> memref<1x128x768xf32, #tpu.memory_space<vmem>>
    %dma_wait3A_47 = tpu.memref_squeeze %dma_wait3A_46 : memref<1x128x768xf32, #tpu.memory_space<vmem>> -> memref<128x768xf32, #tpu.memory_space<vmem>>
    %dma_wait3A_48 = arith.constant 0 : i32
    %dma_wait3A_49 = tpu.memref_slice %arg5[%dma_wait3A_43, %dma_wait3A_48] : memref<2x128xi32, #tpu.memory_space<vmem>> -> memref<1x128xi32, #tpu.memory_space<vmem>>
    %dma_wait3A_50 = tpu.memref_squeeze %dma_wait3A_49 : memref<1x128xi32, #tpu.memory_space<vmem>> -> memref<128xi32, #tpu.memory_space<vmem>>
    %dma_wait3A_51 = arith.constant 0 : i32
    %dma_wait3A_52 = arith.constant 0 : i32
    %dma_wait3A_53 = tpu.memref_slice %arg4[%dma_wait3A_51, %dma_wait3A_52] : memref<10248x768xf32, #tpu.memory_space<hbm>> -> memref<10248x768xf32, #tpu.memory_space<hbm>>
    tpu.wait_indirect_dma semaphore(%arg7 : memref<!tpu.dma_semaphore, #tpu.memory_space<semaphore_mem>>) src(%dma_wait3A_47 : memref<128x768xf32, #tpu.memory_space<vmem>>) dst(%dma_wait3A_53 : memref<10248x768xf32, #tpu.memory_space<hbm>>)
    return
  }
}

module attributes {stable_mosaic.version = 14 : i64} {
  func.func @_ffn_body(%arg0: i32, %arg1: i32, %arg2: memref<160x768xf32, #tpu.memory_space<vmem>>, %arg3: memref<1x768x2048xf32, #tpu.memory_space<vmem>>, %arg4: memref<1x2048x768xf32, #tpu.memory_space<vmem>>, %arg5: memref<160x768xf32, #tpu.memory_space<vmem>>, %arg6: memref<160x768xf32, #tpu.memory_space<vmem>>) attributes {dimension_semantics = [#tpu.dimension_semantics<arbitrary>, #tpu.dimension_semantics<arbitrary>], iteration_bounds = array<i64: 65, 1>, scalar_prefetch = 0 : i64, scratch_operands = 1 : i64, tpu.core_type = #tpu.core_type<tc>, window_params = [{transform_indices = @transform_0, window_bounds = array<i64: 160, 768>}, {transform_indices = @transform_1, window_bounds = array<i64: 1, 768, 2048>}, {transform_indices = @transform_2, window_bounds = array<i64: 1, 2048, 768>}, {transform_indices = @transform_3, window_bounds = array<i64: 160, 768>}]} {
    %lt3A = arith.constant 64 : i32
    %lt3A_0 = arith.cmpi slt, %arg0, %lt3A : i32
    %convert_element_type3A = arith.extui %lt3A_0 : i1 to i32
    %cond3A = arith.constant 0 : i32
    %cond3A_1 = arith.cmpi ne, %convert_element_type3A, %cond3A : i32
    scf.if %cond3A_1 {
      %get3A = arith.constant 0 : index
      %get3A_6 = arith.constant 0 : index
      %get3A_7 = vector.load %arg2[%get3A, %get3A_6] : memref<160x768xf32, #tpu.memory_space<vmem>>, vector<160x768xf32>
      %convert_element_type3A_8 = arith.truncf %get3A_7 : vector<160x768xf32> to vector<160x768xbf16>
      %get3A_9 = arith.constant 0 : index
      %get3A_10 = arith.constant 0 : index
      %get3A_11 = arith.constant 0 : index
      %get3A_12 = vector.load %arg3[%get3A_9, %get3A_10, %get3A_11] : memref<1x768x2048xf32, #tpu.memory_space<vmem>>, vector<1x768x2048xf32>
      %get3A_13 = vector.shape_cast %get3A_12 : vector<1x768x2048xf32> to vector<768x2048xf32>
      %convert_element_type3A_14 = arith.truncf %get3A_13 : vector<768x2048xf32> to vector<768x2048xbf16>
      %dot_general3A = arith.constant dense<0.000000e+00> : vector<160x2048xf32>
      %dot_general3A_15 = tpu.matmul %convert_element_type3A_8, %convert_element_type3A_14, %dot_general3A {dimension_numbers = #tpu.dot_dimension_numbers<[1], [0], [0], [1], [0, 0, 1, 1], [], []>, transpose_lhs_hint = false} : vector<160x768xbf16>, vector<768x2048xbf16>, vector<160x2048xf32> -> vector<160x2048xf32>
      %max3A = arith.constant 0.000000e+00 : f32
      %max3A_16 = vector.broadcast %max3A : f32 to vector<160x2048xf32>
      %max3A_17 = arith.maximumf %dot_general3A_15, %max3A_16 : vector<160x2048xf32>
      %convert_element_type3A_18 = arith.truncf %max3A_17 : vector<160x2048xf32> to vector<160x2048xbf16>
      %get3A_19 = arith.constant 0 : index
      %get3A_20 = arith.constant 0 : index
      %get3A_21 = arith.constant 0 : index
      %get3A_22 = vector.load %arg4[%get3A_19, %get3A_20, %get3A_21] : memref<1x2048x768xf32, #tpu.memory_space<vmem>>, vector<1x2048x768xf32>
      %get3A_23 = vector.shape_cast %get3A_22 : vector<1x2048x768xf32> to vector<2048x768xf32>
      %convert_element_type3A_24 = arith.truncf %get3A_23 : vector<2048x768xf32> to vector<2048x768xbf16>
      %dot_general3A_25 = arith.constant dense<0.000000e+00> : vector<160x768xf32>
      %dot_general3A_26 = tpu.matmul %convert_element_type3A_18, %convert_element_type3A_24, %dot_general3A_25 {dimension_numbers = #tpu.dot_dimension_numbers<[1], [0], [0], [1], [0, 0, 1, 1], [], []>, transpose_lhs_hint = false} : vector<160x2048xbf16>, vector<2048x768xbf16>, vector<160x768xf32> -> vector<160x768xf32>
      %swap3A = arith.constant 0 : index
      %swap3A_27 = arith.constant 0 : index
      %swap3A_28 = vector.load %arg5[%swap3A, %swap3A_27] : memref<160x768xf32, #tpu.memory_space<vmem>>, vector<160x768xf32>
      tpu.vector_store %arg5[%swap3A, %swap3A_27], %dot_general3A_26 {strides = array<i32>} : memref<160x768xf32, #tpu.memory_space<vmem>>, vector<160x768xf32>,
    } else {
    }
    %eq3A = arith.constant 64 : i32
    %eq3A_2 = arith.cmpi eq, %arg0, %eq3A : i32
    %convert_element_type3A_3 = arith.extui %eq3A_2 : i1 to i32
    %cond3A_4 = arith.constant 0 : i32
    %cond3A_5 = arith.cmpi ne, %convert_element_type3A_3, %cond3A_4 : i32
    scf.if %cond3A_5 {
      %broadcast_in_dim3A = arith.constant 0.000000e+00 : f32
      %broadcast_in_dim3A_6 = vector.broadcast %broadcast_in_dim3A : f32 to vector<160x768xf32>
      %swap3A = arith.constant 0 : index
      %swap3A_7 = arith.constant 0 : index
      %swap3A_8 = vector.load %arg5[%swap3A, %swap3A_7] : memref<160x768xf32, #tpu.memory_space<vmem>>, vector<160x768xf32>
      tpu.vector_store %arg5[%swap3A, %swap3A_7], %broadcast_in_dim3A_6 {strides = array<i32>} : memref<160x768xf32, #tpu.memory_space<vmem>>, vector<160x768xf32>,
    } else {
    }
    return
  }
  func.func @transform_0(%arg0: i32, %arg1: i32) -> (i32, i32) {
    %c0_i32 = arith.constant 0 : i32
    %c0_i32_0 = arith.constant 0 : i32
    return %arg0, %c0_i32 : i32, i32
  }
  func.func @transform_1(%arg0: i32, %arg1: i32) -> (i32, i32, i32) {
    %min3A = arith.constant 63 : i32
    %min3A_0 = arith.minsi %arg0, %min3A : i32
    %c0_i32 = arith.constant 0 : i32
    %c0_i32_1 = arith.constant 0 : i32
    return %min3A_0, %c0_i32, %arg1 : i32, i32, i32
  }
  func.func @transform_2(%arg0: i32, %arg1: i32) -> (i32, i32, i32) {
    %min3A = arith.constant 63 : i32
    %min3A_0 = arith.minsi %arg0, %min3A : i32
    %c0_i32 = arith.constant 0 : i32
    %c0_i32_1 = arith.constant 0 : i32
    return %min3A_0, %arg1, %c0_i32 : i32, i32, i32
  }
  func.func @transform_3(%arg0: i32, %arg1: i32) -> (i32, i32) {
    %c0_i32 = arith.constant 0 : i32
    %c0_i32_0 = arith.constant 0 : i32
    return %arg0, %c0_i32 : i32, i32
  }
}

module attributes {stable_mosaic.version = 14 : i64} {
  func.func @_route_body(%arg0: i32, %arg1: memref<1024x768xf32, #tpu.memory_space<vmem>>, %arg2: memref<768x64xf32, #tpu.memory_space<vmem>>, %arg3: memref<1024x1xi32, #tpu.memory_space<vmem>>, %arg4: memref<1024x768xf32, #tpu.memory_space<vmem>>, %arg5: memref<1x64xf32, #tpu.memory_space<vmem>>) attributes {dimension_semantics = [#tpu.dimension_semantics<arbitrary>], iteration_bounds = array<i64: 8>, scalar_prefetch = 0 : i64, scratch_operands = 1 : i64, tpu.core_type = #tpu.core_type<tc>, window_params = [{transform_indices = @transform_0, window_bounds = array<i64: 1024, 768>}, {pipeline_mode = #tpu.pipeline_mode<synchronous>, transform_indices = @transform_1, window_bounds = array<i64: 768, 64>}, {transform_indices = @transform_2, window_bounds = array<i64: 1024, 1>}, {transform_indices = @transform_3, window_bounds = array<i64: 1024, 768>}]} {
    %eq3A = arith.constant 0 : i32
    %eq3A_0 = arith.cmpi eq, %arg0, %eq3A : i32
    %convert_element_type3A = arith.extui %eq3A_0 : i1 to i32
    %cond3A = arith.constant 0 : i32
    %cond3A_1 = arith.cmpi ne, %convert_element_type3A, %cond3A : i32
    scf.if %cond3A_1 {
      %broadcast_in_dim3A_105 = arith.constant 0.000000e+00 : f32
      %broadcast_in_dim3A_106 = vector.broadcast %broadcast_in_dim3A_105 : f32 to vector<1x64xf32>
      %swap3A_107 = arith.constant 0 : index
      %swap3A_108 = arith.constant 0 : index
      %swap3A_109 = vector.load %arg5[%swap3A_107, %swap3A_108] : memref<1x64xf32, #tpu.memory_space<vmem>>, vector<1x64xf32>
      tpu.vector_store %arg5[%swap3A_107, %swap3A_108], %broadcast_in_dim3A_106 {strides = array<i32>} : memref<1x64xf32, #tpu.memory_space<vmem>>, vector<1x64xf32>,
    } else {
    }
    %get3A = arith.constant 0 : index
    %get3A_2 = arith.constant 0 : index
    %get3A_3 = vector.load %arg1[%get3A, %get3A_2] : memref<1024x768xf32, #tpu.memory_space<vmem>>, vector<1024x768xf32>
    %get3A_4 = arith.constant 0 : index
    %get3A_5 = arith.constant 0 : index
    %get3A_6 = vector.load %arg2[%get3A_4, %get3A_5] : memref<768x64xf32, #tpu.memory_space<vmem>>, vector<768x64xf32>
    %dot_general3A = arith.constant dense<0.000000e+00> : vector<1024x64xf32>
    %dot_general3A_7 = tpu.matmul %get3A_3, %get3A_6, %dot_general3A {dimension_numbers = #tpu.dot_dimension_numbers<[1], [0], [0], [1], [0, 0, 1, 1], [], []>, transpose_lhs_hint = false} : vector<1024x768xf32>, vector<768x64xf32>, vector<1024x64xf32> -> vector<1024x64xf32>
    %reduce_max3A = arith.constant dense<0xFF800000> : vector<1024xf32>
    %reduce_max3A_8 = vector.multi_reduction <maximumf>, %dot_general3A_7, %reduce_max3A [1] : vector<1024x64xf32> to vector<1024xf32>
    %broadcast_in_dim3A = vector.shape_cast %reduce_max3A_8 : vector<1024xf32> to vector<1024x1xf32>
    %iota3A = tpu.iota {dimensions = array<i32: 1>} : vector<1024x64xi32>
    %eq3A_9 = vector.broadcast %broadcast_in_dim3A : vector<1024x1xf32> to vector<1024x64xf32>
    %eq3A_10 = arith.cmpf oeq, %dot_general3A_7, %eq3A_9 : vector<1024x64xf32>
    %jit3A = arith.constant 64 : i32
    %broadcast_in_dim3A_11 = vector.broadcast %jit3A : i32 to vector<1024x64xi32>
    %select_n3A = arith.select %eq3A_10, %iota3A, %broadcast_in_dim3A_11 : vector<1024x64xi1>, vector<1024x64xi32>
    %reduce_min3A = arith.constant dense<2147483647> : vector<1024xi32>
    %reduce_min3A_12 = vector.multi_reduction <minsi>, %select_n3A, %reduce_min3A [1] : vector<1024x64xi32> to vector<1024xi32>
    %broadcast_in_dim3A_13 = vector.shape_cast %reduce_min3A_12 : vector<1024xi32> to vector<1024x1xi32>
    %sub3A = vector.broadcast %broadcast_in_dim3A : vector<1024x1xf32> to vector<1024x64xf32>
    %sub3A_14 = arith.subf %dot_general3A_7, %sub3A : vector<1024x64xf32>
    %exp3A = math.exp %sub3A_14 : vector<1024x64xf32>
    %reduce_sum3A = arith.constant dense<0.000000e+00> : vector<1024xf32>
    %reduce_sum3A_15 = vector.multi_reduction <add>, %exp3A, %reduce_sum3A [1] : vector<1024x64xf32> to vector<1024xf32>
    %broadcast_in_dim3A_16 = vector.shape_cast %reduce_sum3A_15 : vector<1024xf32> to vector<1024x1xf32>
    %div3A = arith.constant 1.000000e+00 : f32
    %div3A_17 = vector.broadcast %div3A : f32 to vector<1024x1xf32>
    %div3A_18 = arith.divf %div3A_17, %broadcast_in_dim3A_16 : vector<1024x1xf32>
    %eq3A_19 = vector.broadcast %broadcast_in_dim3A_13 : vector<1024x1xi32> to vector<1024x64xi32>
    %eq3A_20 = arith.cmpi eq, %iota3A, %eq3A_19 : vector<1024x64xi32>
    %convert_element_type3A_21 = arith.extui %eq3A_20 : vector<1024x64xi1> to vector<1024x64xi32>
    %convert_element_type3A_22 = arith.sitofp %convert_element_type3A_21 : vector<1024x64xi32> to vector<1024x64xf32>
    %broadcast_in_dim3A_23 = arith.constant 0.000000e+00 : f32
    %broadcast_in_dim3A_24 = vector.broadcast %broadcast_in_dim3A_23 : f32 to vector<1x64xf32>
    %slice3A = vector.extract_strided_slice %convert_element_type3A_22 {offsets = [0, 0], sizes = [1023, 64], strides = [1, 1]} : vector<1024x64xf32> to vector<1023x64xf32>
    %concatenate3A = tpu.concatenate %broadcast_in_dim3A_24, %slice3A in 0 : vector<1x64xf32>, vector<1023x64xf32> -> vector<1024x64xf32>
    %add3A = arith.addf %convert_element_type3A_22, %concatenate3A : vector<1024x64xf32>
    %broadcast_in_dim3A_25 = arith.constant 0.000000e+00 : f32
    %broadcast_in_dim3A_26 = vector.broadcast %broadcast_in_dim3A_25 : f32 to vector<2x64xf32>
    %slice3A_27 = vector.extract_strided_slice %add3A {offsets = [0, 0], sizes = [1022, 64], strides = [1, 1]} : vector<1024x64xf32> to vector<1022x64xf32>
    %concatenate3A_28 = tpu.concatenate %broadcast_in_dim3A_26, %slice3A_27 in 0 : vector<2x64xf32>, vector<1022x64xf32> -> vector<1024x64xf32>
    %add3A_29 = arith.addf %add3A, %concatenate3A_28 : vector<1024x64xf32>
    %broadcast_in_dim3A_30 = arith.constant 0.000000e+00 : f32
    %broadcast_in_dim3A_31 = vector.broadcast %broadcast_in_dim3A_30 : f32 to vector<4x64xf32>
    %slice3A_32 = vector.extract_strided_slice %add3A_29 {offsets = [0, 0], sizes = [1020, 64], strides = [1, 1]} : vector<1024x64xf32> to vector<1020x64xf32>
    %concatenate3A_33 = tpu.concatenate %broadcast_in_dim3A_31, %slice3A_32 in 0 : vector<4x64xf32>, vector<1020x64xf32> -> vector<1024x64xf32>
    %add3A_34 = arith.addf %add3A_29, %concatenate3A_33 : vector<1024x64xf32>
    %broadcast_in_dim3A_35 = arith.constant 0.000000e+00 : f32
    %broadcast_in_dim3A_36 = vector.broadcast %broadcast_in_dim3A_35 : f32 to vector<8x64xf32>
    %slice3A_37 = vector.extract_strided_slice %add3A_34 {offsets = [0, 0], sizes = [1016, 64], strides = [1, 1]} : vector<1024x64xf32> to vector<1016x64xf32>
    %concatenate3A_38 = tpu.concatenate %broadcast_in_dim3A_36, %slice3A_37 in 0 : vector<8x64xf32>, vector<1016x64xf32> -> vector<1024x64xf32>
    %add3A_39 = arith.addf %add3A_34, %concatenate3A_38 : vector<1024x64xf32>
    %broadcast_in_dim3A_40 = arith.constant 0.000000e+00 : f32
    %broadcast_in_dim3A_41 = vector.broadcast %broadcast_in_dim3A_40 : f32 to vector<16x64xf32>
    %slice3A_42 = vector.extract_strided_slice %add3A_39 {offsets = [0, 0], sizes = [1008, 64], strides = [1, 1]} : vector<1024x64xf32> to vector<1008x64xf32>
    %concatenate3A_43 = tpu.concatenate %broadcast_in_dim3A_41, %slice3A_42 in 0 : vector<16x64xf32>, vector<1008x64xf32> -> vector<1024x64xf32>
    %add3A_44 = arith.addf %add3A_39, %concatenate3A_43 : vector<1024x64xf32>
    %broadcast_in_dim3A_45 = arith.constant 0.000000e+00 : f32
    %broadcast_in_dim3A_46 = vector.broadcast %broadcast_in_dim3A_45 : f32 to vector<32x64xf32>
    %slice3A_47 = vector.extract_strided_slice %add3A_44 {offsets = [0, 0], sizes = [992, 64], strides = [1, 1]} : vector<1024x64xf32> to vector<992x64xf32>
    %concatenate3A_48 = tpu.concatenate %broadcast_in_dim3A_46, %slice3A_47 in 0 : vector<32x64xf32>, vector<992x64xf32> -> vector<1024x64xf32>
    %add3A_49 = arith.addf %add3A_44, %concatenate3A_48 : vector<1024x64xf32>
    %broadcast_in_dim3A_50 = arith.constant 0.000000e+00 : f32
    %broadcast_in_dim3A_51 = vector.broadcast %broadcast_in_dim3A_50 : f32 to vector<64x64xf32>
    %slice3A_52 = vector.extract_strided_slice %add3A_49 {offsets = [0, 0], sizes = [960, 64], strides = [1, 1]} : vector<1024x64xf32> to vector<960x64xf32>
    %concatenate3A_53 = tpu.concatenate %broadcast_in_dim3A_51, %slice3A_52 in 0 : vector<64x64xf32>, vector<960x64xf32> -> vector<1024x64xf32>
    %add3A_54 = arith.addf %add3A_49, %concatenate3A_53 : vector<1024x64xf32>
    %broadcast_in_dim3A_55 = arith.constant 0.000000e+00 : f32
    %broadcast_in_dim3A_56 = vector.broadcast %broadcast_in_dim3A_55 : f32 to vector<128x64xf32>
    %slice3A_57 = vector.extract_strided_slice %add3A_54 {offsets = [0, 0], sizes = [896, 64], strides = [1, 1]} : vector<1024x64xf32> to vector<896x64xf32>
    %concatenate3A_58 = tpu.concatenate %broadcast_in_dim3A_56, %slice3A_57 in 0 : vector<128x64xf32>, vector<896x64xf32> -> vector<1024x64xf32>
    %add3A_59 = arith.addf %add3A_54, %concatenate3A_58 : vector<1024x64xf32>
    %broadcast_in_dim3A_60 = arith.constant 0.000000e+00 : f32
    %broadcast_in_dim3A_61 = vector.broadcast %broadcast_in_dim3A_60 : f32 to vector<256x64xf32>
    %slice3A_62 = vector.extract_strided_slice %add3A_59 {offsets = [0, 0], sizes = [768, 64], strides = [1, 1]} : vector<1024x64xf32> to vector<768x64xf32>
    %concatenate3A_63 = tpu.concatenate %broadcast_in_dim3A_61, %slice3A_62 in 0 : vector<256x64xf32>, vector<768x64xf32> -> vector<1024x64xf32>
    %add3A_64 = arith.addf %add3A_59, %concatenate3A_63 : vector<1024x64xf32>
    %broadcast_in_dim3A_65 = arith.constant 0.000000e+00 : f32
    %broadcast_in_dim3A_66 = vector.broadcast %broadcast_in_dim3A_65 : f32 to vector<512x64xf32>
    %slice3A_67 = vector.extract_strided_slice %add3A_64 {offsets = [0, 0], sizes = [512, 64], strides = [1, 1]} : vector<1024x64xf32> to vector<512x64xf32>
    %concatenate3A_68 = tpu.concatenate %broadcast_in_dim3A_66, %slice3A_67 in 0 : vector<512x64xf32>, vector<512x64xf32> -> vector<1024x64xf32>
    %add3A_69 = arith.addf %add3A_64, %concatenate3A_68 : vector<1024x64xf32>
    %get3A_70 = arith.constant 0 : index
    %get3A_71 = arith.constant 0 : index
    %get3A_72 = vector.load %arg5[%get3A_70, %get3A_71] : memref<1x64xf32, #tpu.memory_space<vmem>>, vector<1x64xf32>
    %add3A_73 = vector.broadcast %get3A_72 : vector<1x64xf32> to vector<1024x64xf32>
    %add3A_74 = arith.addf %add3A_69, %add3A_73 : vector<1024x64xf32>
    %slice3A_75 = vector.extract_strided_slice %add3A_74 {offsets = [1023, 0], sizes = [1, 64], strides = [1, 1]} : vector<1024x64xf32> to vector<1x64xf32>
    %swap3A = arith.constant 0 : index
    %swap3A_76 = arith.constant 0 : index
    %swap3A_77 = vector.load %arg5[%swap3A, %swap3A_76] : memref<1x64xf32, #tpu.memory_space<vmem>>, vector<1x64xf32>
    tpu.vector_store %arg5[%swap3A, %swap3A_76], %slice3A_75 {strides = array<i32>} : memref<1x64xf32, #tpu.memory_space<vmem>>, vector<1x64xf32>,
    %sub3A_78 = arith.constant 1.000000e+00 : f32
    %sub3A_79 = vector.broadcast %sub3A_78 : f32 to vector<1024x64xf32>
    %sub3A_80 = arith.subf %add3A_74, %sub3A_79 : vector<1024x64xf32>
    %mul3A = arith.mulf %sub3A_80, %convert_element_type3A_22 : vector<1024x64xf32>
    %reduce_sum3A_81 = arith.constant dense<0.000000e+00> : vector<1024xf32>
    %reduce_sum3A_82 = vector.multi_reduction <add>, %mul3A, %reduce_sum3A_81 [1] : vector<1024x64xf32> to vector<1024xf32>
    %broadcast_in_dim3A_83 = vector.shape_cast %reduce_sum3A_82 : vector<1024xf32> to vector<1024x1xf32>
    %convert_element_type3A_84 = arith.fptosi %broadcast_in_dim3A_83 : vector<1024x1xf32> to vector<1024x1xi32>
    %lt3A = arith.constant 160 : i32
    %lt3A_85 = vector.broadcast %lt3A : i32 to vector<1024x1xi32>
    %lt3A_86 = arith.cmpi slt, %convert_element_type3A_84, %lt3A_85 : vector<1024x1xi32>
    %mul3A_87 = arith.constant 160 : i32
    %mul3A_88 = vector.broadcast %mul3A_87 : i32 to vector<1024x1xi32>
    %mul3A_89 = arith.muli %broadcast_in_dim3A_13, %mul3A_88 : vector<1024x1xi32>
    %add3A_90 = arith.addi %mul3A_89, %convert_element_type3A_84 : vector<1024x1xi32>
    %jit3A_91 = arith.constant 10240 : i32
    %broadcast_in_dim3A_92 = vector.broadcast %jit3A_91 : i32 to vector<1024x1xi32>
    %select_n3A_93 = arith.select %lt3A_86, %add3A_90, %broadcast_in_dim3A_92 : vector<1024x1xi1>, vector<1024x1xi32>
    %swap3A_94 = arith.constant 0 : index
    %swap3A_95 = arith.constant 0 : index
    %swap3A_96 = vector.load %arg3[%swap3A_94, %swap3A_95] : memref<1024x1xi32, #tpu.memory_space<vmem>>, vector<1024x1xi32>
    tpu.vector_store %arg3[%swap3A_94, %swap3A_95], %select_n3A_93 {strides = array<i32>} : memref<1024x1xi32, #tpu.memory_space<vmem>>, vector<1024x1xi32>,
    %jit3A_97 = arith.constant 0.000000e+00 : f32
    %broadcast_in_dim3A_98 = vector.broadcast %jit3A_97 : f32 to vector<1024x1xf32>
    %select_n3A_99 = arith.select %lt3A_86, %div3A_18, %broadcast_in_dim3A_98 : vector<1024x1xi1>, vector<1024x1xf32>
    %mul3A_100 = vector.broadcast %select_n3A_99 : vector<1024x1xf32> to vector<1024x768xf32>
    %mul3A_101 = arith.mulf %get3A_3, %mul3A_100 : vector<1024x768xf32>
    %swap3A_102 = arith.constant 0 : index
    %swap3A_103 = arith.constant 0 : index
    %swap3A_104 = vector.load %arg4[%swap3A_102, %swap3A_103] : memref<1024x768xf32, #tpu.memory_space<vmem>>, vector<1024x768xf32>
    tpu.vector_store %arg4[%swap3A_102, %swap3A_103], %mul3A_101 {strides = array<i32>} : memref<1024x768xf32, #tpu.memory_space<vmem>>, vector<1024x768xf32>,
    return
  }
  func.func @transform_0(%arg0: i32) -> (i32, i32) {
    %c0_i32 = arith.constant 0 : i32
    %c0_i32_0 = arith.constant 0 : i32
    return %arg0, %c0_i32 : i32, i32
  }
  func.func @transform_1(%arg0: i32) -> (i32, i32) {
    %c0_i32 = arith.constant 0 : i32
    %c0_i32_0 = arith.constant 0 : i32
    %c0_i32_1 = arith.constant 0 : i32
    return %c0_i32, %c0_i32_0 : i32, i32
  }
  func.func @transform_2(%arg0: i32) -> (i32, i32) {
    %c0_i32 = arith.constant 0 : i32
    %c0_i32_0 = arith.constant 0 : i32
    return %arg0, %c0_i32 : i32, i32
  }
  func.func @transform_3(%arg0: i32) -> (i32, i32) {
    %c0_i32 = arith.constant 0 : i32
    %c0_i32_0 = arith.constant 0 : i32
    return %arg0, %c0_i32 : i32, i32
  }
}

</mosaic_0001>

<sc_bundles>
// kernel: kernel.6.cloned.1.call-start
scs
__scs_entry_jumppad:
0x0: {  	(pc) =	sbr.rel $0x88, $3  }
0x1: {  	(tag) =	ssettag $0x0;
	lr =	simm.s32 $0x1  }
0x2: {  	[smem:$0x3F9D] =	sst lr;
	_ =	strace $0xD0000000  }
0x3: {  	_ = 	snop  }
0x4: {  	_ = 	snop  }
0x5: {  	_ = 	snop  }
0x6: {  	_ = 	snop  }
0x7: {  	_ = 	snop  }
__scs_overlays_trampoline_lowered:
0x8: {  	[smem:$0x3FAC] =	sst s0  }
0x9: {  	[smem:$0x3FAD] =	sst s1  }
0xa: {  	[smem:$0x3FAE] =	sst s2  }
0xb: {  	[smem:$0x3FAF] =	sst s3  }
0xc: {  	[smem:$0x3FB0] =	sst s4  }
0xd: {  	[smem:$0x3FB1] =	sst s5  }
0xe: {  	[smem:$0x3FB2] =	sst s6  }
0xf: {  	[smem:$0x3FB3] =	sst s7  }
0x10: {  	[smem:$0x3FB4] =	sst s8  }
0x11: {  	[smem:$0x3FB5] =	sst s9;
	s0 =	simm.s32 @!p0 $0x0  }
0x12: {  	s1 =	sld [smem:$0x3F9B];
	s0 =	simm.s32 @p0 $0x1  }
0x13: {  	[smem:$0x3FB6] =	sst s0;
	s0 =	simm.s32 @!p1 $0x0  }
0x14: {  	s2 =	sld [smem:$0x3F9A];
	s0 =	simm.s32 @p1 $0x1  }
0x15: {  	[smem:$0x3FB7] =	sst s0;
	s0 =	simm.s32 @!p2 $0x0  }
0x16: {  	s3 =	sld [smem:$0x3FDB];
	s0 =	simm.s32 @p2 $0x1  }
0x17: {  	s4 =	simm.s32 $0x1BF5;
	[smem:$0x3FB9] =	sst s0  }
0x18: {  	s0 =	sld [smem:$0x3F9C];
	_ =	swait.ge [sflag:s4], $0x0  }
0x19: {  	s7 =	sld [smem:$0x3F9D]  }
0x1a: {  	s8 =	sadd.s32 $0xFFFFE003, lr  }
0x1b: {  	s9 =	sadd.s32 $0xFFFFFEF7, lr;
	s5 =	simm.s32 $0xFFFFFFFF;
	p2 =	slt.u32 s8, $0xFFFFF086  }
0x1c: {  	p1 =	slt.u32 s9, $0xF7A;
	s5 =	simm.s32 @!p2 $0x0  }
0x1d: {  	s5 =	simm.s32 @p1 $0x1;
	p0 =	seq.s32 s7, s2  }
0x1e: {  	s7 =	smul.u32 @!p0 $0xF7A, s2;
	p2 =	seq.s32 @!p0 s5, $0x0  }
0x1f: {  	s9 =	smul.u32 $0xF7A, s1;
	s8 =	simm.s32 @!p0 $0x1BF5;
	p2 =	por !p2, p0  }
0x20: {  	[sflag:s8] =	ssyncset.s32 @!p0 $0xFFFFF086;
	s6 =	sadd.s32 @!p0 s3, s7;
	s7 =	simm.s32 @!p0 $0x108  }
0x21: {  	s3 =	sadd.s32 s3, s9;
	s6 =	sadd.s32 @!p0 $0x88, s6;
	s7 =	simm.s32 @p2 $0x1082  }
0x22: {  	[simem:s7], [sflag:s8] =	dma.local @!p0 [hbm:s6], $0xF7A  }
0x23: {  	s9 =	sor.u32 $0xD0000000, s2;
	s6 =	simm.s32 $0x108;
	_ =	swait.ge @!p0 [sflag:s8], $0x0  }
0x24: {  	s3 =	sadd.s32 $0x88, s3;
	s6 =	simm.s32 @!p1 $0x1082;
	[sflag:s4] =	ssyncset.s32 $0xFFFFF086  }
0x25: {  	[simem:s6], [sflag:s4] =	dma.local [hbm:s3], $0xF7A  }
0x26: {  	[smem:$0x3F9D] =	sst s1;
	(tag) =	ssettag s2;
	_ =	strace s9  }
0x27: {  	s1 =	sld [smem:$0x3FAD]  }
0x28: {  	s2 =	sld [smem:$0x3FAE]  }
0x29: {  	s4 =	sld [smem:$0x3FB0]  }
0x2a: {  	p0 =	seq.s32 s5, $0x0;
	s5 =	sld [smem:$0x3FB1]  }
0x2b: {  	s6 =	sld [smem:$0x3FB2]  }
0x2c: {  	s7 =	sld [smem:$0x3FB3]  }
0x2d: {  	s3 =	simm.s32 $0x108;
	s8 =	sld [smem:$0x3FB4]  }
0x2e: {  	s3 =	simm.s32 @!p0 $0x1082;
	s9 =	sld [smem:$0x3FB5]  }
0x2f: {  	lr =	sadd.s32 s0, s3;
	s0 =	sld [smem:$0x3FAC]  }
0x30: {  	s3 =	sld [smem:$0x3FAF]  }
0x31: {  	[smem:$0x3FB8] =	sst s10  }
0x32: {  	s10 =	sld [smem:$0x3FB6];
	_ =	sdelay $0x3  }
0x33: {  	p0 =	seq.s32 s10, $0x1;
	s10 =	sld [smem:$0x3FB8];
	_ =	sdelay $0x3  }
0x34: {  	[smem:$0x3FB8] =	sst s10  }
0x35: {  	s10 =	sld [smem:$0x3FB7];
	_ =	sdelay $0x3  }
0x36: {  	p1 =	seq.s32 s10, $0x1;
	s10 =	sld [smem:$0x3FB8];
	_ =	sdelay $0x3  }
0x37: {  	[smem:$0x3FB8] =	sst s10  }
0x38: {  	s10 =	sld [smem:$0x3FB9]  }
0x39: {  	_ = 	snop;
	(pc) =	sbr.ind lr, $3  }
0x3a: {  	_ = 	snop  }
0x3b: {  	_ = 	snop  }
0x3c: {  	p2 =	seq.s32 s10, $0x1;
	s10 =	sld [smem:$0x3FB8]  }
0x3d: {  	_ =	shalt  }
0x3e: {  	_ =	shalt  }
0x3f: {  	_ =	shalt  }
0x40: {  	_ =	shalt  }
0x41: {  	_ =	shalt  }
0x42: {  	_ =	shalt  }
0x43: {  	_ =	shalt  }
0x44: {  	_ =	shalt  }
0x45: {  	_ =	shalt  }
0x46: {  	_ =	shalt  }
0x47: {  	_ =	shalt  }
0x48: {  	_ =	shalt  }
0x49: {  	_ =	shalt  }
0x4a: {  	_ =	shalt  }
0x4b: {  	_ =	shalt  }
0x4c: {  	_ =	shalt  }
0x4d: {  	_ =	shalt  }
0x4e: {  	_ =	shalt  }
0x4f: {  	_ =	shalt  }
0x50: {  	_ =	shalt  }
0x51: {  	_ =	shalt  }
0x52: {  	_ =	shalt  }
0x53: {  	_ =	shalt  }
0x54: {  	_ =	shalt  }
0x55: {  	_ =	shalt  }
0x56: {  	_ =	shalt  }
0x57: {  	_ =	shalt  }
0x58: {  	_ =	shalt  }
0x59: {  	_ =	shalt  }
0x5a: {  	_ =	shalt  }
0x5b: {  	_ =	shalt  }
0x5c: {  	_ =	shalt  }
0x5d: {  	_ =	shalt  }
0x5e: {  	_ =	shalt  }
0x5f: {  	_ =	shalt  }
0x60: {  	_ =	shalt  }
0x61: {  	_ =	shalt  }
0x62: {  	_ =	shalt  }
0x63: {  	_ =	shalt  }
0x64: {  	_ =	shalt  }
0x65: {  	_ =	shalt  }
0x66: {  	_ =	shalt  }
0x67: {  	_ =	shalt  }
0x68: {  	_ =	shalt  }
0x69: {  	_ =	shalt  }
0x6a: {  	_ =	shalt  }
0x6b: {  	_ =	shalt  }
0x6c: {  	_ =	shalt  }
0x6d: {  	_ =	shalt  }
0x6e: {  	_ =	shalt  }
0x6f: {  	_ =	shalt  }
0x70: {  	_ =	shalt  }
0x71: {  	_ =	shalt  }
0x72: {  	_ =	shalt  }
0x73: {  	_ =	shalt  }
0x74: {  	_ =	shalt  }
0x75: {  	_ =	shalt  }
0x76: {  	_ =	shalt  }
0x77: {  	_ =	shalt  }
0x78: {  	_ =	shalt  }
0x79: {  	_ =	shalt  }
0x7a: {  	_ =	shalt  }
0x7b: {  	_ =	shalt  }
0x7c: {  	_ =	shalt  }
0x7d: {  	_ =	shalt  }
0x7e: {  	_ =	shalt  }
0x7f: {  	_ =	shalt  }
0x80: {  	_ =	shalt  }
0x81: {  	_ =	shalt  }
0x82: {  	_ =	shalt  }
0x83: {  	_ =	shalt  }
0x84: {  	_ =	shalt  }
0x85: {  	_ =	shalt  }
0x86: {  	_ =	shalt  }
0x87: {  	_ =	shalt  }
.Lfunc_end0:
.L_simem_size_0:
called_computation_lowered:
.L_overlay_start_0:
0x88: {  	s2 =	sld [smem:$0x3FD9]  }
0x89: {  	s3 =	sld [smem:$0x3FFE];
	_ =	sdelay $0x1  }
0x8a: {  	s1 =	srdreg.scid  }
0x8b: {  	s0 =	sand.u32 $0x1, s1  }
0x8c: {  	s17 =	sshll.u32 s0, $0xA;
	s2 =	sadd.s32 s3, s2  }
0x8d: {  	s2 =	sadd.s32 s2, s17  }
0x8e: {  	[smem:$0x3FC4] =	sst s2  }
0x8f: {  	_ = 	snop  }
0x90: {  	s2 =	sld [smem:$0x3FD0];
	(tm) =	ssettm $0x1  }
0x91: {  	s18 =	sld [smem:$0x3FFB];
	_ =	sdelay $0x3  }
0x92: {  	_ =	strace s18  }
0x93: {  	s3 =	sld [smem:$0x3FFC];
	_ =	sdelay $0x3  }
0x94: {  	_ =	strace s3  }
0x95: {  	s3 =	sld [smem:$0x3FFD];
	_ =	sdelay $0x3  }
0x96: {  	_ =	strace s3  }
0x97: {  	_ =	strace $0x8FFFFFFF  }
0x98: {  	s19 =	sld [smem:$0x3FDB];
	_ =	sdelay $0x1  }
0x99: {  	s4 =	simm.s32 $_scs_section_size  }
0x9a: {  	s5 =	simm.s32 $_size__tile_overlayer_lowered;
	s6 =	simm.s32 $_tile_overlayer_lowered  }
0x9b: {  	s22 =	simm.s32 $0x1BFF;
	s21 =	sshll.u32 s6, $0x1;
	s3 =	sadd.s32 s4, s19  }
0x9c: {  	s7 =	simm.s32 $0x0;
	s20 =	sshll.u32 s5, $0x1;
	s5 =	sadd.s32 s21, s3  }
0x9d: {  	[timem:s7], [sflag:s22] =	dma.local [hbm:s5], s20  }
0x9e: {  	_ =	swait.ge [sflag:s22], s20  }
0x9f: {  	s4 =	ssub.s32 $0x0, s20;
	[sflag:s22] =	ssyncset.done $0x0  }
0xa0: {  	[sflag:s22] =	ssyncadd.s32 s4;
	_ =	sdelay $0x1  }
0xa1: {  	s23 =	simm.s32 $0x1B8B  }
0xa2: {  	_ =	swait.ge [sflag:s23], $0x1  }
0xa3: {  	[sflag:s23] =	ssyncset.done $0x0  }
0xa4: {  	s25 =	simm.s32 $0x1B8E;
	s24 =	sld [smem:$0x3FFE];
	[sflag:s23] =	ssyncadd.s32 $0xFFFFFFFF  }
0xa5: {  	s26 =	simm.s32 $execute0_lowered;
	[smem:$0x3FD2] =	sst s25  }
0xa6: {  	s5 =	sshll.u32 s26, $0x1;
	_ =	strace $0x80000046;
	[dreg:$0x1] =	wrdreg $0xFFFFFFFF  }
0xa7: {  	s28 =	simm.s32 $_size_execute0_lowered;
	s3 =	sadd.s32 s3, s5;
	[dreg:$0x0] =	wrdreg $0x0  }
0xa8: {  	s5 =	sshll.u32 s28, $0x1;
	[dreg:$0x2] =	wrdreg s3  }
0xa9: {  	[dreg:$0x3] =	wrdreg s5  }
0xaa: {  	[dreg:$0x4] =	wrdreg $0xC0  }
0xab: {  	_ =	task [dreg:s7], $0x5FFFF  }
0xac: {  	[dreg:$0x1] =	wrdreg $0xFFFFFFFF  }
0xad: {  	[dreg:$0x0] =	wrdreg $0x60  }
0xae: {  	[dreg:$0x2] =	wrdreg s2  }
0xaf: {  	[dreg:$0x3] =	wrdreg s24  }
0xb0: {  	[dreg:$0x4] =	wrdreg $0x9  }
0xb1: {  	_ =	task.clear_ibuf [dreg:s7], $0x5FFFF;
	_ =	strace $0x90000046  }
0xb2: {  	s29 =	simm.s32 $0x9;
	_ =	strace $0x80000048  }
0xb3: {  	_ =	swait.ge [sflag:s29], $0x1  }
0xb4: {  	[sflag:s29] =	ssyncadd.s32 $0xFFFFFFFF  }
0xb5: {  	_ =	strace $0x90000048  }
0xb6: {  	_ =	sfence  }
0xb7: {  	s30 =	sld [smem:$0x0];
	_ =	sdelay $0x2  }
0xb8: {  	s31 =	sshll.u32 s1, $0xD;
	s1 =	sshrl.u32 s1, $0x2  }
0xb9: {  	s3 =	sand.u32 $0x4000, s31;
	s1 =	sadd.s32 s1, s30  }
0xba: {  	s0 =	sor.u32 s3, s0;
	s1 =	sshll.u32 s1, $0x11  }
0xbb: {  	s0 =	sor.u32 s1, s0  }
0xbc: {  	s0 =	sadd.s32 $0x8F2B, s0  }
0xbd: {  	[sflag:s0] =	ssyncadd.remote.s32 $0x1  }
0xbe: {  	_ =	sfence.sel $0xFFFF  }
0xbf: {  	[dreg:$0x0] =	wrdreg $0xFFFFFFFF;
	(pc) =	sbr.abs _section_cstart, $3  }
0xc0: {  	[dreg:$0x1] =	wrdreg $0xFFFFFFFF  }
0xc1: {  	_ =	task.clear_ibuf [dreg:s7], $0x2FFFF;
	_ =	strace $0x9FFFFFFF  }
0xc2: {  	(tm) =	ssettm $0x7FFFFFFF  }
0xc3: {  	_ =	shalt  }
tec
execute0_lowered:
.L_overlay_start_1:
0x0: {  	(tag) =	ssettag $0x1  }
0x1: {  	s0 =	rddreg [dreg:$0x0]  }
0x2: {  	s1 =	rddreg [dreg:$0x1]  }
0x3: {  	s2 =	srdreg.scid;
	s3 =	stileid.u32  }
0x4: {  	s10 =	simm.s32 $0x900;
	s11 =	simm.s32 $0x1100;
	s12 =	simm.s32 $0x1900  }
0x5: {  	s13 =	simm.s32 $0x2100;
	s14 =	simm.s32 $0x2900;
	s15 =	simm.s32 $0x3100  }
0x6: {  	s16 =	simm.s32 $0x3900;
	s17 =	simm.s32 $0x4100;
	s18 =	simm.s32 $0x4900  }
0x7: {  	s19 =	simm.s32 $0x5100;
	s20 =	simm.s32 $0x5900;
	s21 =	simm.s32 $0x6100  }
0x8: {  	s22 =	simm.s32 $0x6900;
	s23 =	simm.s32 $0x7100;
	s24 =	simm.s32 $0x7900  }
0x9: {  	s25 =	simm.s32 $0x8100;
	s28 =	simm.s32 $0x9100;
	s29 =	simm.s32 $0x9900  }
0xa: {  	s30 =	simm.s32 $0xA100;
	s31 =	simm.s32 $0xA900;
	s4 =	sand.u32 $0x1, s2  }
0xb: {  	s2 =	simm.s32 $0x0;
	s3 =	sshll.u32 s3, $0x6;
	s5 =	sshll.u32 s4, $0x5  }
0xc: {  	[smem:$0x7FF] =	sst s2;
	s4 =	ssub.s32 $0x2, s4;
	s5 =	sor.u32 s5, s3  }
0xd: {  	_ =	strace $0x80000047;
	s3 =	sadd.s32 $0xA00, s1;
	s7 =	smul.u32 $0x1800, s5  }
0xe: {  	s8 =	sshrl.u32 s4, $0x1;
	s6 =	sadd.s32 s5, s1;
	s5 =	smul.u32 $0x300, s5  }
0xf: {  	s26 =	ssub.s32 s4, s8;
	s4 =	sadd.s32 $0xB00, s1;
	s6 =	sadd.s32 $0x600, s6  }
0x10: {  	s7 =	sshrl.u32 s7, $0x3;
	[dreg:$0x3] =	wrdreg s6;
	s5 =	sadd.s32 s0, s5  }
0x11: {  	v2 =	vlaneseq.u32;
	s6 =	smax.u32 s26, $0x1;
	s26 =	simm.s32 $0x8900;
	s0 =	sadd.s32 s0, s7  }
0x12: {  	vm0 =	vmmov $0xffff;
	v1 =	vshrl.u32 v2, $0x3;
	[dreg:$0x4] =	wrdreg s5;
	s5 =	sadd.s32 $0xC00, s1;
	s0 =	sadd.s32 $0x3000, s0  }
0x13: {  	v0 =	vand.u32 $0x7, v2;
	v2 =	vor.u32 $0x8, v2;
	v1 =	vmul.u32 $0x8, v1;
	s7 =	simm.s32 $0x2;
	s1 =	simm.s32 $0x1;
	[dreg:$0x5] =	wrdreg s0  }
.LBB2_1:
0x14: {  	s9 =	rddreg [dreg:$0x3]  }
0x15: {  	[tilespmem:s2], [sflag:$0x2] =	stream.linear.gather [hbm4b:s9+s2], $0x100, $0x38;
	[tilespmem:$0x18100] =	vst v63  }
0x16: {  	_ =	swait.ge [sflag:s7], $0x100  }
0x17: {  	[sflag:s7] =	ssyncset.done $0x0  }
0x18: {  	s0 =	simm.s32 $0x100;
	s8 =	rddreg [dreg:$0x4];
	[sflag:s7] =	ssyncadd.s32 $0xFFFFFF00  }
0x19: {  	[tilespmem:s0], [sflag:$0x2] =	stream.linear.gather [hbm4b:s8+s2], $0x18000, $0x38;
	[tilespmem:$0x18100] =	vst v63  }
0x1a: {  	_ =	swait.ge [sflag:s7], $0x18000  }
0x1b: {  	[sflag:s7] =	ssyncset.done $0x0  }
0x1c: {  	[sflag:s7] =	ssyncadd.s32 $0xFFFE8000  }
0x1d: {  	v3 =	vld [tilespmem:$0x0];
	_ =	sdelay $0x4  }
0x1e: {  	v4 =	vshrl.u32 v3, $0x3  }
0x1f: {  	v4 =	vmul.u32 $0x30, v4  }
0x20: {  	v3 =	vand.u32 $0x7, v3  }
0x21: {  	v3 =	vor.u32 v3, v4  }
0x22: {  	v4 =	vperm.xlane v3, v0;
	_ =	sdelay $0x1  }
0x23: {  	v4 =	vadd.s32 v1, v4;
	_ =	sdelay $0x3  }
0x24: {  	v3 =	vperm.xlane v3, v2  }
0x25: {  	[hbm4b:s3+s2] =	stream.indirect_vreg.scatter [tilespmem:s0], [sflag:$0x1], $0x80, v4, vm0, $0xb8;
	[tilespmem:$0x18100] =	vst v63  }
0x26: {  	v3 =	vadd.s32 v1, v3  }
0x27: {  	[hbm4b:s4+s2] =	stream.indirect_vreg.scatter [tilespmem:s10], [sflag:$0x1], $0x80, v4, vm0, $0xb8;
	[tilespmem:$0x18100] =	vst v63  }
0x28: {  	_ = 	snop  }
0x29: {  	[hbm4b:s5+s2] =	stream.indirect_vreg.scatter [tilespmem:s11], [sflag:$0x1], $0x80, v4, vm0, $0xb8;
	[tilespmem:$0x18100] =	vst v63  }
0x2a: {  	_ = 	snop  }
0x2b: {  	[hbm4b:s3+s2] =	stream.indirect_vreg.scatter [tilespmem:s12], [sflag:$0x1], $0x80, v3, vm0, $0xb8;
	[tilespmem:$0x18100] =	vst v63  }
0x2c: {  	_ = 	snop  }
0x2d: {  	[hbm4b:s4+s2] =	stream.indirect_vreg.scatter [tilespmem:s13], [sflag:$0x1], $0x80, v3, vm0, $0xb8;
	[tilespmem:$0x18100] =	vst v63  }
0x2e: {  	_ = 	snop  }
0x2f: {  	[hbm4b:s5+s2] =	stream.indirect_vreg.scatter [tilespmem:s14], [sflag:$0x1], $0x80, v3, vm0, $0xb8;
	[tilespmem:$0x18100] =	vst v63  }
0x30: {  	v3 =	vld [tilespmem:$0x10];
	_ =	sdelay $0x4  }
0x31: {  	v49 =	vshrl.u32 v3, $0x3  }
0x32: {  	v4 =	vmul.u32 $0x30, v49  }
0x33: {  	v3 =	vand.u32 $0x7, v3  }
0x34: {  	v3 =	vor.u32 v3, v4  }
0x35: {  	v4 =	vperm.xlane v3, v0;
	_ =	sdelay $0x1  }
0x36: {  	v4 =	vadd.s32 v1, v4;
	_ =	sdelay $0x3  }
0x37: {  	v3 =	vperm.xlane v3, v2  }
0x38: {  	[hbm4b:s3+s2] =	stream.indirect_vreg.scatter [tilespmem:s15], [sflag:$0x1], $0x80, v4, vm0, $0xb8;
	[tilespmem:$0x18100] =	vst v63  }
0x39: {  	v3 =	vadd.s32 v1, v3  }
0x3a: {  	[hbm4b:s4+s2] =	stream.indirect_vreg.scatter [tilespmem:s16], [sflag:$0x1], $0x80, v4, vm0, $0xb8;
	[tilespmem:$0x18100] =	vst v63  }
0x3b: {  	_ = 	snop  }
0x3c: {  	[hbm4b:s5+s2] =	stream.indirect_vreg.scatter [tilespmem:s17], [sflag:$0x1], $0x80, v4, vm0, $0xb8;
	[tilespmem:$0x18100] =	vst v63  }
0x3d: {  	_ = 	snop  }
0x3e: {  	[hbm4b:s3+s2] =	stream.indirect_vreg.scatter [tilespmem:s18], [sflag:$0x1], $0x80, v3, vm0, $0xb8;
	[tilespmem:$0x18100] =	vst v63  }
0x3f: {  	_ = 	snop  }
0x40: {  	[hbm4b:s4+s2] =	stream.indirect_vreg.scatter [tilespmem:s19], [sflag:$0x1], $0x80, v3, vm0, $0xb8;
	[tilespmem:$0x18100] =	vst v63  }
0x41: {  	_ = 	snop  }
0x42: {  	[hbm4b:s5+s2] =	stream.indirect_vreg.scatter [tilespmem:s20], [sflag:$0x1], $0x80, v3, vm0, $0xb8;
	[tilespmem:$0x18100] =	vst v63  }
0x43: {  	v3 =	vld [tilespmem:$0x20];
	_ =	sdelay $0x4  }
0x44: {  	v50 =	vshrl.u32 v3, $0x3  }
0x45: {  	v4 =	vmul.u32 $0x30, v50  }
0x46: {  	v3 =	vand.u32 $0x7, v3  }
0x47: {  	v3 =	vor.u32 v3, v4  }
0x48: {  	v4 =	vperm.xlane v3, v0;
	_ =	sdelay $0x1  }
0x49: {  	v4 =	vadd.s32 v1, v4;
	_ =	sdelay $0x3  }
0x4a: {  	v3 =	vperm.xlane v3, v2  }
0x4b: {  	[hbm4b:s3+s2] =	stream.indirect_vreg.scatter [tilespmem:s21], [sflag:$0x1], $0x80, v4, vm0, $0xb8;
	[tilespmem:$0x18100] =	vst v63  }
0x4c: {  	v3 =	vadd.s32 v1, v3  }
0x4d: {  	[hbm4b:s4+s2] =	stream.indirect_vreg.scatter [tilespmem:s22], [sflag:$0x1], $0x80, v4, vm0, $0xb8;
	[tilespmem:$0x18100] =	vst v63  }
0x4e: {  	_ = 	snop  }
0x4f: {  	[hbm4b:s5+s2] =	stream.indirect_vreg.scatter [tilespmem:s23], [sflag:$0x1], $0x80, v4, vm0, $0xb8;
	[tilespmem:$0x18100] =	vst v63  }
0x50: {  	_ = 	snop  }
0x51: {  	[hbm4b:s3+s2] =	stream.indirect_vreg.scatter [tilespmem:s24], [sflag:$0x1], $0x80, v3, vm0, $0xb8;
	[tilespmem:$0x18100] =	vst v63  }
0x52: {  	_ = 	snop  }
0x53: {  	[hbm4b:s4+s2] =	stream.indirect_vreg.scatter [tilespmem:s25], [sflag:$0x1], $0x80, v3, vm0, $0xb8;
	[tilespmem:$0x18100] =	vst v63  }
0x54: {  	_ = 	snop  }
0x55: {  	[hbm4b:s5+s2] =	stream.indirect_vreg.scatter [tilespmem:s26], [sflag:$0x1], $0x80, v3, vm0, $0xb8;
	[tilespmem:$0x18100] =	vst v63  }
0x56: {  	v3 =	vld [tilespmem:$0x30];
	_ =	sdelay $0x4  }
0x57: {  	v51 =	vshrl.u32 v3, $0x3  }
0x58: {  	v4 =	vmul.u32 $0x30, v51  }
0x59: {  	v3 =	vand.u32 $0x7, v3  }
0x5a: {  	v3 =	vor.u32 v3, v4  }
0x5b: {  	v4 =	vperm.xlane v3, v0;
	_ =	sdelay $0x1  }
0x5c: {  	v4 =	vadd.s32 v1, v4;
	_ =	sdelay $0x3  }
0x5d: {  	v3 =	vperm.xlane v3, v2  }
0x5e: {  	[hbm4b:s3+s2] =	stream.indirect_vreg.scatter [tilespmem:s28], [sflag:$0x1], $0x80, v4, vm0, $0xb8;
	[tilespmem:$0x18100] =	vst v63  }
0x5f: {  	v3 =	vadd.s32 v1, v3  }
0x60: {  	[hbm4b:s4+s2] =	stream.indirect_vreg.scatter [tilespmem:s29], [sflag:$0x1], $0x80, v4, vm0, $0xb8;
	[tilespmem:$0x18100] =	vst v63  }
0x61: {  	_ = 	snop  }
0x62: {  	[hbm4b:s5+s2] =	stream.indirect_vreg.scatter [tilespmem:s30], [sflag:$0x1], $0x80, v4, vm0, $0xb8;
	[tilespmem:$0x18100] =	vst v63  }
0x63: {  	_ = 	snop  }
0x64: {  	[hbm4b:s3+s2] =	stream.indirect_vreg.scatter [tilespmem:s31], [sflag:$0x1], $0x80, v3, vm0, $0xb8;
	[tilespmem:$0x18100] =	vst v63  }
0x65: {  	s8 =	simm.s32 $0xB100  }
0x66: {  	[hbm4b:s4+s2] =	stream.indirect_vreg.scatter [tilespmem:s8], [sflag:$0x1], $0x80, v3, vm0, $0xb8;
	[tilespmem:$0x18100] =	vst v63  }
0x67: {  	s8 =	simm.s32 $0xB900  }
0x68: {  	[hbm4b:s5+s2] =	stream.indirect_vreg.scatter [tilespmem:s8], [sflag:$0x1], $0x80, v3, vm0, $0xb8;
	[tilespmem:$0x18100] =	vst v63  }
0x69: {  	v3 =	vld [tilespmem:$0x40];
	_ =	sdelay $0x4  }
0x6a: {  	v52 =	vshrl.u32 v3, $0x3  }
0x6b: {  	v4 =	vmul.u32 $0x30, v52  }
0x6c: {  	v3 =	vand.u32 $0x7, v3  }
0x6d: {  	v3 =	vor.u32 v3, v4  }
0x6e: {  	v4 =	vperm.xlane v3, v0;
	_ =	sdelay $0x1  }
0x6f: {  	v4 =	vadd.s32 v1, v4;
	_ =	sdelay $0x3  }
0x70: {  	s9 =	simm.s32 $0xC100;
	v3 =	vperm.xlane v3, v2  }
0x71: {  	[hbm4b:s3+s2] =	stream.indirect_vreg.scatter [tilespmem:s9], [sflag:$0x1], $0x80, v4, vm0, $0xb8;
	[tilespmem:$0x18100] =	vst v63  }
0x72: {  	v3 =	vadd.s32 v1, v3;
	s9 =	simm.s32 $0xC900  }
0x73: {  	[hbm4b:s4+s2] =	stream.indirect_vreg.scatter [tilespmem:s9], [sflag:$0x1], $0x80, v4, vm0, $0xb8;
	[tilespmem:$0x18100] =	vst v63  }
0x74: {  	s9 =	simm.s32 $0xD100  }
0x75: {  	[hbm4b:s5+s2] =	stream.indirect_vreg.scatter [tilespmem:s9], [sflag:$0x1], $0x80, v4, vm0, $0xb8;
	[tilespmem:$0x18100] =	vst v63  }
0x76: {  	s9 =	simm.s32 $0xD900  }
0x77: {  	[hbm4b:s3+s2] =	stream.indirect_vreg.scatter [tilespmem:s9], [sflag:$0x1], $0x80, v3, vm0, $0xb8;
	[tilespmem:$0x18100] =	vst v63  }
0x78: {  	s9 =	simm.s32 $0xE100  }
0x79: {  	[hbm4b:s4+s2] =	stream.indirect_vreg.scatter [tilespmem:s9], [sflag:$0x1], $0x80, v3, vm0, $0xb8;
	[tilespmem:$0x18100] =	vst v63  }
0x7a: {  	s9 =	simm.s32 $0xE900  }
0x7b: {  	[hbm4b:s5+s2] =	stream.indirect_vreg.scatter [tilespmem:s9], [sflag:$0x1], $0x80, v3, vm0, $0xb8;
	[tilespmem:$0x18100] =	vst v63  }
0x7c: {  	v3 =	vld [tilespmem:$0x50];
	_ =	sdelay $0x4  }
0x7d: {  	v53 =	vshrl.u32 v3, $0x3  }
0x7e: {  	v4 =	vmul.u32 $0x30, v53  }
0x7f: {  	v3 =	vand.u32 $0x7, v3  }
0x80: {  	v3 =	vor.u32 v3, v4  }
0x81: {  	v4 =	vperm.xlane v3, v0;
	_ =	sdelay $0x1  }
0x82: {  	v4 =	vadd.s32 v1, v4;
	_ =	sdelay $0x3  }
0x83: {  	s9 =	simm.s32 $0xF100;
	v3 =	vperm.xlane v3, v2  }
0x84: {  	[hbm4b:s3+s2] =	stream.indirect_vreg.scatter [tilespmem:s9], [sflag:$0x1], $0x80, v4, vm0, $0xb8;
	[tilespmem:$0x18100] =	vst v63  }
0x85: {  	v3 =	vadd.s32 v1, v3;
	s9 =	simm.s32 $0xF900  }
0x86: {  	[hbm4b:s4+s2] =	stream.indirect_vreg.scatter [tilespmem:s9], [sflag:$0x1], $0x80, v4, vm0, $0xb8;
	[tilespmem:$0x18100] =	vst v63  }
0x87: {  	s9 =	simm.s32 $0x10100  }
0x88: {  	[hbm4b:s5+s2] =	stream.indirect_vreg.scatter [tilespmem:s9], [sflag:$0x1], $0x80, v4, vm0, $0xb8;
	[tilespmem:$0x18100] =	vst v63  }
0x89: {  	s9 =	simm.s32 $0x10900  }
0x8a: {  	[hbm4b:s3+s2] =	stream.indirect_vreg.scatter [tilespmem:s9], [sflag:$0x1], $0x80, v3, vm0, $0xb8;
	[tilespmem:$0x18100] =	vst v63  }
0x8b: {  	s9 =	simm.s32 $0x11100  }
0x8c: {  	[hbm4b:s4+s2] =	stream.indirect_vreg.scatter [tilespmem:s9], [sflag:$0x1], $0x80, v3, vm0, $0xb8;
	[tilespmem:$0x18100] =	vst v63  }
0x8d: {  	s9 =	simm.s32 $0x11900  }
0x8e: {  	[hbm4b:s5+s2] =	stream.indirect_vreg.scatter [tilespmem:s9], [sflag:$0x1], $0x80, v3, vm0, $0xb8;
	[tilespmem:$0x18100] =	vst v63  }
0x8f: {  	v3 =	vld [tilespmem:$0x60];
	_ =	sdelay $0x4  }
0x90: {  	v54 =	vshrl.u32 v3, $0x3  }
0x91: {  	v4 =	vmul.u32 $0x30, v54  }
0x92: {  	v3 =	vand.u32 $0x7, v3  }
0x93: {  	v3 =	vor.u32 v3, v4  }
0x94: {  	v4 =	vperm.xlane v3, v0;
	_ =	sdelay $0x1  }
0x95: {  	v4 =	vadd.s32 v1, v4;
	_ =	sdelay $0x3  }
0x96: {  	s9 =	simm.s32 $0x12100;
	v3 =	vperm.xlane v3, v2  }
0x97: {  	[hbm4b:s3+s2] =	stream.indirect_vreg.scatter [tilespmem:s9], [sflag:$0x1], $0x80, v4, vm0, $0xb8;
	[tilespmem:$0x18100] =	vst v63  }
0x98: {  	v3 =	vadd.s32 v1, v3;
	s9 =	simm.s32 $0x12900  }
0x99: {  	[hbm4b:s4+s2] =	stream.indirect_vreg.scatter [tilespmem:s9], [sflag:$0x1], $0x80, v4, vm0, $0xb8;
	[tilespmem:$0x18100] =	vst v63  }
0x9a: {  	s9 =	simm.s32 $0x13100  }
0x9b: {  	[hbm4b:s5+s2] =	stream.indirect_vreg.scatter [tilespmem:s9], [sflag:$0x1], $0x80, v4, vm0, $0xb8;
	[tilespmem:$0x18100] =	vst v63  }
0x9c: {  	s9 =	simm.s32 $0x13900  }
0x9d: {  	[hbm4b:s3+s2] =	stream.indirect_vreg.scatter [tilespmem:s9], [sflag:$0x1], $0x80, v3, vm0, $0xb8;
	[tilespmem:$0x18100] =	vst v63  }
0x9e: {  	s9 =	simm.s32 $0x14100  }
0x9f: {  	[hbm4b:s4+s2] =	stream.indirect_vreg.scatter [tilespmem:s9], [sflag:$0x1], $0x80, v3, vm0, $0xb8;
	[tilespmem:$0x18100] =	vst v63  }
0xa0: {  	s9 =	simm.s32 $0x14900  }
0xa1: {  	[hbm4b:s5+s2] =	stream.indirect_vreg.scatter [tilespmem:s9], [sflag:$0x1], $0x80, v3, vm0, $0xb8;
	[tilespmem:$0x18100] =	vst v63  }
0xa2: {  	v3 =	vld [tilespmem:$0x70];
	_ =	sdelay $0x4  }
0xa3: {  	v55 =	vshrl.u32 v3, $0x3  }
0xa4: {  	v4 =	vmul.u32 $0x30, v55  }
0xa5: {  	v3 =	vand.u32 $0x7, v3  }
0xa6: {  	v3 =	vor.u32 v3, v4  }
0xa7: {  	v4 =	vperm.xlane v3, v0;
	_ =	sdelay $0x1  }
0xa8: {  	v4 =	vadd.s32 v1, v4;
	_ =	sdelay $0x3  }
0xa9: {  	s9 =	simm.s32 $0x15100;
	v3 =	vperm.xlane v3, v2  }
0xaa: {  	[hbm4b:s3+s2] =	stream.indirect_vreg.scatter [tilespmem:s9], [sflag:$0x1], $0x80, v4, vm0, $0xb8;
	[tilespmem:$0x18100] =	vst v63  }
0xab: {  	v3 =	vadd.s32 v1, v3;
	s9 =	simm.s32 $0x15900  }
0xac: {  	[hbm4b:s4+s2] =	stream.indirect_vreg.scatter [tilespmem:s9], [sflag:$0x1], $0x80, v4, vm0, $0xb8;
	[tilespmem:$0x18100] =	vst v63  }
0xad: {  	s9 =	simm.s32 $0x16100  }
0xae: {  	[hbm4b:s5+s2] =	stream.indirect_vreg.scatter [tilespmem:s9], [sflag:$0x1], $0x80, v4, vm0, $0xb8;
	[tilespmem:$0x18100] =	vst v63  }
0xaf: {  	s9 =	simm.s32 $0x16900  }
0xb0: {  	[hbm4b:s3+s2] =	stream.indirect_vreg.scatter [tilespmem:s9], [sflag:$0x1], $0x80, v3, vm0, $0xb8;
	[tilespmem:$0x18100] =	vst v63  }
0xb1: {  	s9 =	simm.s32 $0x17100  }
0xb2: {  	[hbm4b:s4+s2] =	stream.indirect_vreg.scatter [tilespmem:s9], [sflag:$0x1], $0x80, v3, vm0, $0xb8;
	[tilespmem:$0x18100] =	vst v63  }
0xb3: {  	s9 =	simm.s32 $0x17900  }
0xb4: {  	[hbm4b:s5+s2] =	stream.indirect_vreg.scatter [tilespmem:s9], [sflag:$0x1], $0x80, v3, vm0, $0xb8;
	[tilespmem:$0x18100] =	vst v63  }
0xb5: {  	_ =	swait.ge [sflag:s1], $0x18000  }
0xb6: {  	[sflag:s1] =	ssyncset.done $0x0  }
0xb7: {  	s9 =	rddreg [dreg:$0x5];
	[sflag:s1] =	ssyncadd.s32 $0xFFFE8000  }
0xb8: {  	[tilespmem:s0], [sflag:$0x2] =	stream.linear.gather [hbm4b:s9+s2], $0x18000, $0x38;
	[tilespmem:$0x18100] =	vst v63  }
0xb9: {  	_ =	swait.ge [sflag:s7], $0x18000  }
0xba: {  	[sflag:s7] =	ssyncset.done $0x0  }
0xbb: {  	[sflag:s7] =	ssyncadd.s32 $0xFFFE8000  }
0xbc: {  	v3 =	vld [tilespmem:$0x80];
	_ =	sdelay $0x4  }
0xbd: {  	v56 =	vshrl.u32 v3, $0x3  }
0xbe: {  	v4 =	vmul.u32 $0x30, v56  }
0xbf: {  	v3 =	vand.u32 $0x7, v3  }
0xc0: {  	v3 =	vor.u32 v3, v4  }
0xc1: {  	v4 =	vperm.xlane v3, v0;
	_ =	sdelay $0x1  }
0xc2: {  	v4 =	vadd.s32 v1, v4;
	_ =	sdelay $0x3  }
0xc3: {  	v3 =	vperm.xlane v3, v2  }
0xc4: {  	[hbm4b:s3+s2] =	stream.indirect_vreg.scatter [tilespmem:s0], [sflag:$0x1], $0x80, v4, vm0, $0xb8;
	[tilespmem:$0x18100] =	vst v63  }
0xc5: {  	v3 =	vadd.s32 v1, v3  }
0xc6: {  	[hbm4b:s4+s2] =	stream.indirect_vreg.scatter [tilespmem:s10], [sflag:$0x1], $0x80, v4, vm0, $0xb8;
	[tilespmem:$0x18100] =	vst v63  }
0xc7: {  	_ = 	snop  }
0xc8: {  	[hbm4b:s5+s2] =	stream.indirect_vreg.scatter [tilespmem:s11], [sflag:$0x1], $0x80, v4, vm0, $0xb8;
	[tilespmem:$0x18100] =	vst v63  }
0xc9: {  	_ = 	snop  }
0xca: {  	[hbm4b:s3+s2] =	stream.indirect_vreg.scatter [tilespmem:s12], [sflag:$0x1], $0x80, v3, vm0, $0xb8;
	[tilespmem:$0x18100] =	vst v63  }
0xcb: {  	_ = 	snop  }
0xcc: {  	[hbm4b:s4+s2] =	stream.indirect_vreg.scatter [tilespmem:s13], [sflag:$0x1], $0x80, v3, vm0, $0xb8;
	[tilespmem:$0x18100] =	vst v63  }
0xcd: {  	_ = 	snop  }
0xce: {  	[hbm4b:s5+s2] =	stream.indirect_vreg.scatter [tilespmem:s14], [sflag:$0x1], $0x80, v3, vm0, $0xb8;
	[tilespmem:$0x18100] =	vst v63  }
0xcf: {  	v3 =	vld [tilespmem:$0x90];
	_ =	sdelay $0x4  }
0xd0: {  	v57 =	vshrl.u32 v3, $0x3  }
0xd1: {  	v4 =	vmul.u32 $0x30, v57  }
0xd2: {  	v3 =	vand.u32 $0x7, v3  }
0xd3: {  	v3 =	vor.u32 v3, v4  }
0xd4: {  	v4 =	vperm.xlane v3, v0;
	_ =	sdelay $0x1  }
0xd5: {  	v4 =	vadd.s32 v1, v4;
	_ =	sdelay $0x3  }
0xd6: {  	v3 =	vperm.xlane v3, v2  }
0xd7: {  	[hbm4b:s3+s2] =	stream.indirect_vreg.scatter [tilespmem:s15], [sflag:$0x1], $0x80, v4, vm0, $0xb8;
	[tilespmem:$0x18100] =	vst v63  }
0xd8: {  	v3 =	vadd.s32 v1, v3  }
0xd9: {  	[hbm4b:s4+s2] =	stream.indirect_vreg.scatter [tilespmem:s16], [sflag:$0x1], $0x80, v4, vm0, $0xb8;
	[tilespmem:$0x18100] =	vst v63  }
0xda: {  	_ = 	snop  }
0xdb: {  	[hbm4b:s5+s2] =	stream.indirect_vreg.scatter [tilespmem:s17], [sflag:$0x1], $0x80, v4, vm0, $0xb8;
	[tilespmem:$0x18100] =	vst v63  }
0xdc: {  	_ = 	snop  }
0xdd: {  	[hbm4b:s3+s2] =	stream.indirect_vreg.scatter [tilespmem:s18], [sflag:$0x1], $0x80, v3, vm0, $0xb8;
	[tilespmem:$0x18100] =	vst v63  }
0xde: {  	_ = 	snop  }
0xdf: {  	[hbm4b:s4+s2] =	stream.indirect_vreg.scatter [tilespmem:s19], [sflag:$0x1], $0x80, v3, vm0, $0xb8;
	[tilespmem:$0x18100] =	vst v63  }
0xe0: {  	_ = 	snop  }
0xe1: {  	[hbm4b:s5+s2] =	stream.indirect_vreg.scatter [tilespmem:s20], [sflag:$0x1], $0x80, v3, vm0, $0xb8;
	[tilespmem:$0x18100] =	vst v63  }
0xe2: {  	v3 =	vld [tilespmem:$0xA0];
	_ =	sdelay $0x4  }
0xe3: {  	v58 =	vshrl.u32 v3, $0x3  }
0xe4: {  	v4 =	vmul.u32 $0x30, v58  }
0xe5: {  	v3 =	vand.u32 $0x7, v3  }
0xe6: {  	v3 =	vor.u32 v3, v4  }
0xe7: {  	v4 =	vperm.xlane v3, v0;
	_ =	sdelay $0x1  }
0xe8: {  	v4 =	vadd.s32 v1, v4;
	_ =	sdelay $0x3  }
0xe9: {  	v3 =	vperm.xlane v3, v2  }
0xea: {  	[hbm4b:s3+s2] =	stream.indirect_vreg.scatter [tilespmem:s21], [sflag:$0x1], $0x80, v4, vm0, $0xb8;
	[tilespmem:$0x18100] =	vst v63  }
0xeb: {  	v3 =	vadd.s32 v1, v3  }
0xec: {  	[hbm4b:s4+s2] =	stream.indirect_vreg.scatter [tilespmem:s22], [sflag:$0x1], $0x80, v4, vm0, $0xb8;
	[tilespmem:$0x18100] =	vst v63  }
0xed: {  	_ = 	snop  }
0xee: {  	[hbm4b:s5+s2] =	stream.indirect_vreg.scatter [tilespmem:s23], [sflag:$0x1], $0x80, v4, vm0, $0xb8;
	[tilespmem:$0x18100] =	vst v63  }
0xef: {  	_ = 	snop  }
0xf0: {  	[hbm4b:s3+s2] =	stream.indirect_vreg.scatter [tilespmem:s24], [sflag:$0x1], $0x80, v3, vm0, $0xb8;
	[tilespmem:$0x18100] =	vst v63  }
0xf1: {  	_ = 	snop  }
0xf2: {  	[hbm4b:s4+s2] =	stream.indirect_vreg.scatter [tilespmem:s25], [sflag:$0x1], $0x80, v3, vm0, $0xb8;
	[tilespmem:$0x18100] =	vst v63  }
0xf3: {  	_ = 	snop  }
0xf4: {  	[hbm4b:s5+s2] =	stream.indirect_vreg.scatter [tilespmem:s26], [sflag:$0x1], $0x80, v3, vm0, $0xb8;
	[tilespmem:$0x18100] =	vst v63  }
0xf5: {  	v3 =	vld [tilespmem:$0xB0];
	_ =	sdelay $0x4  }
0xf6: {  	v59 =	vshrl.u32 v3, $0x3  }
0xf7: {  	v4 =	vmul.u32 $0x30, v59  }
0xf8: {  	v3 =	vand.u32 $0x7, v3  }
0xf9: {  	v3 =	vor.u32 v3, v4  }
0xfa: {  	v4 =	vperm.xlane v3, v0;
	_ =	sdelay $0x1  }
0xfb: {  	v4 =	vadd.s32 v1, v4;
	_ =	sdelay $0x3  }
0xfc: {  	v3 =	vperm.xlane v3, v2  }
0xfd: {  	[hbm4b:s3+s2] =	stream.indirect_vreg.scatter [tilespmem:s28], [sflag:$0x1], $0x80, v4, vm0, $0xb8;
	[tilespmem:$0x18100] =	vst v63  }
0xfe: {  	v3 =	vadd.s32 v1, v3  }
0xff: {  	[hbm4b:s4+s2] =	stream.indirect_vreg.scatter [tilespmem:s29], [sflag:$0x1], $0x80, v4, vm0, $0xb8;
	[tilespmem:$0x18100] =	vst v63  }
0x100: {  	_ = 	snop  }
0x101: {  	[hbm4b:s5+s2] =	stream.indirect_vreg.scatter [tilespmem:s30], [sflag:$0x1], $0x80, v4, vm0, $0xb8;
	[tilespmem:$0x18100] =	vst v63  }
0x102: {  	_ = 	snop  }
0x103: {  	[hbm4b:s3+s2] =	stream.indirect_vreg.scatter [tilespmem:s31], [sflag:$0x1], $0x80, v3, vm0, $0xb8;
	[tilespmem:$0x18100] =	vst v63  }
0x104: {  	s9 =	simm.s32 $0xB100  }
0x105: {  	[hbm4b:s4+s2] =	stream.indirect_vreg.scatter [tilespmem:s9], [sflag:$0x1], $0x80, v3, vm0, $0xb8;
	[tilespmem:$0x18100] =	vst v63  }
0x106: {  	_ = 	snop  }
0x107: {  	[hbm4b:s5+s2] =	stream.indirect_vreg.scatter [tilespmem:s8], [sflag:$0x1], $0x80, v3, vm0, $0xb8;
	[tilespmem:$0x18100] =	vst v63  }
0x108: {  	v3 =	vld [tilespmem:$0xC0];
	_ =	sdelay $0x4  }
0x109: {  	v60 =	vshrl.u32 v3, $0x3  }
0x10a: {  	v4 =	vmul.u32 $0x30, v60  }
0x10b: {  	v3 =	vand.u32 $0x7, v3  }
0x10c: {  	v3 =	vor.u32 v3, v4  }
0x10d: {  	v4 =	vperm.xlane v3, v0;
	_ =	sdelay $0x1  }
0x10e: {  	v4 =	vadd.s32 v1, v4;
	_ =	sdelay $0x3  }
0x10f: {  	s8 =	simm.s32 $0xC100;
	v3 =	vperm.xlane v3, v2  }
0x110: {  	[hbm4b:s3+s2] =	stream.indirect_vreg.scatter [tilespmem:s8], [sflag:$0x1], $0x80, v4, vm0, $0xb8;
	[tilespmem:$0x18100] =	vst v63  }
0x111: {  	s9 =	simm.s32 $0xC900;
	v3 =	vadd.s32 v1, v3  }
0x112: {  	[hbm4b:s4+s2] =	stream.indirect_vreg.scatter [tilespmem:s9], [sflag:$0x1], $0x80, v4, vm0, $0xb8;
	[tilespmem:$0x18100] =	vst v63  }
0x113: {  	s8 =	simm.s32 $0xD100  }
0x114: {  	[hbm4b:s5+s2] =	stream.indirect_vreg.scatter [tilespmem:s8], [sflag:$0x1], $0x80, v4, vm0, $0xb8;
	[tilespmem:$0x18100] =	vst v63  }
0x115: {  	s9 =	simm.s32 $0xD900  }
0x116: {  	[hbm4b:s3+s2] =	stream.indirect_vreg.scatter [tilespmem:s9], [sflag:$0x1], $0x80, v3, vm0, $0xb8;
	[tilespmem:$0x18100] =	vst v63  }
0x117: {  	s8 =	simm.s32 $0xE100  }
0x118: {  	[hbm4b:s4+s2] =	stream.indirect_vreg.scatter [tilespmem:s8], [sflag:$0x1], $0x80, v3, vm0, $0xb8;
	[tilespmem:$0x18100] =	vst v63  }
0x119: {  	s9 =	simm.s32 $0xE900  }
0x11a: {  	[hbm4b:s5+s2] =	stream.indirect_vreg.scatter [tilespmem:s9], [sflag:$0x1], $0x80, v3, vm0, $0xb8;
	[tilespmem:$0x18100] =	vst v63  }
0x11b: {  	v3 =	vld [tilespmem:$0xD0];
	_ =	sdelay $0x4  }
0x11c: {  	v61 =	vshrl.u32 v3, $0x3  }
0x11d: {  	v4 =	vmul.u32 $0x30, v61  }
0x11e: {  	v3 =	vand.u32 $0x7, v3  }
0x11f: {  	v3 =	vor.u32 v3, v4  }
0x120: {  	v4 =	vperm.xlane v3, v0;
	_ =	sdelay $0x1  }
0x121: {  	v4 =	vadd.s32 v1, v4;
	_ =	sdelay $0x3  }
0x122: {  	s8 =	simm.s32 $0xF100;
	v3 =	vperm.xlane v3, v2  }
0x123: {  	[hbm4b:s3+s2] =	stream.indirect_vreg.scatter [tilespmem:s8], [sflag:$0x1], $0x80, v4, vm0, $0xb8;
	[tilespmem:$0x18100] =	vst v63  }
0x124: {  	s9 =	simm.s32 $0xF900;
	v3 =	vadd.s32 v1, v3  }
0x125: {  	[hbm4b:s4+s2] =	stream.indirect_vreg.scatter [tilespmem:s9], [sflag:$0x1], $0x80, v4, vm0, $0xb8;
	[tilespmem:$0x18100] =	vst v63  }
0x126: {  	s8 =	simm.s32 $0x10100  }
0x127: {  	[hbm4b:s5+s2] =	stream.indirect_vreg.scatter [tilespmem:s8], [sflag:$0x1], $0x80, v4, vm0, $0xb8;
	[tilespmem:$0x18100] =	vst v63  }
0x128: {  	s9 =	simm.s32 $0x10900  }
0x129: {  	[hbm4b:s3+s2] =	stream.indirect_vreg.scatter [tilespmem:s9], [sflag:$0x1], $0x80, v3, vm0, $0xb8;
	[tilespmem:$0x18100] =	vst v63  }
0x12a: {  	s8 =	simm.s32 $0x11100  }
0x12b: {  	[hbm4b:s4+s2] =	stream.indirect_vreg.scatter [tilespmem:s8], [sflag:$0x1], $0x80, v3, vm0, $0xb8;
	[tilespmem:$0x18100] =	vst v63  }
0x12c: {  	s9 =	simm.s32 $0x11900  }
0x12d: {  	[hbm4b:s5+s2] =	stream.indirect_vreg.scatter [tilespmem:s9], [sflag:$0x1], $0x80, v3, vm0, $0xb8;
	[tilespmem:$0x18100] =	vst v63  }
0x12e: {  	v3 =	vld [tilespmem:$0xE0];
	_ =	sdelay $0x4  }
0x12f: {  	v62 =	vshrl.u32 v3, $0x3  }
0x130: {  	v4 =	vmul.u32 $0x30, v62  }
0x131: {  	v3 =	vand.u32 $0x7, v3  }
0x132: {  	v3 =	vor.u32 v3, v4  }
0x133: {  	v4 =	vperm.xlane v3, v0;
	_ =	sdelay $0x1  }
0x134: {  	v4 =	vadd.s32 v1, v4;
	_ =	sdelay $0x3  }
0x135: {  	s8 =	simm.s32 $0x12100;
	v3 =	vperm.xlane v3, v2  }
0x136: {  	[hbm4b:s3+s2] =	stream.indirect_vreg.scatter [tilespmem:s8], [sflag:$0x1], $0x80, v4, vm0, $0xb8;
	[tilespmem:$0x18100] =	vst v63  }
0x137: {  	s9 =	simm.s32 $0x12900;
	v3 =	vadd.s32 v1, v3  }
0x138: {  	[hbm4b:s4+s2] =	stream.indirect_vreg.scatter [tilespmem:s9], [sflag:$0x1], $0x80, v4, vm0, $0xb8;
	[tilespmem:$0x18100] =	vst v63  }
0x139: {  	s8 =	simm.s32 $0x13100  }
0x13a: {  	[hbm4b:s5+s2] =	stream.indirect_vreg.scatter [tilespmem:s8], [sflag:$0x1], $0x80, v4, vm0, $0xb8;
	[tilespmem:$0x18100] =	vst v63  }
0x13b: {  	s9 =	simm.s32 $0x13900  }
0x13c: {  	[hbm4b:s3+s2] =	stream.indirect_vreg.scatter [tilespmem:s9], [sflag:$0x1], $0x80, v3, vm0, $0xb8;
	[tilespmem:$0x18100] =	vst v63  }
0x13d: {  	s8 =	simm.s32 $0x14100  }
0x13e: {  	[hbm4b:s4+s2] =	stream.indirect_vreg.scatter [tilespmem:s8], [sflag:$0x1], $0x80, v3, vm0, $0xb8;
	[tilespmem:$0x18100] =	vst v63  }
0x13f: {  	s9 =	simm.s32 $0x14900  }
0x140: {  	[hbm4b:s5+s2] =	stream.indirect_vreg.scatter [tilespmem:s9], [sflag:$0x1], $0x80, v3, vm0, $0xb8;
	[tilespmem:$0x18100] =	vst v63  }
0x141: {  	v3 =	vld [tilespmem:$0xF0];
	_ =	sdelay $0x4  }
0x142: {  	v63 =	vshrl.u32 v3, $0x3  }
0x143: {  	v4 =	vmul.u32 $0x30, v63  }
0x144: {  	v3 =	vand.u32 $0x7, v3  }
0x145: {  	v3 =	vor.u32 v3, v4  }
0x146: {  	v4 =	vperm.xlane v3, v0;
	_ =	sdelay $0x1  }
0x147: {  	v4 =	vadd.s32 v1, v4;
	_ =	sdelay $0x3  }
0x148: {  	s8 =	simm.s32 $0x15100;
	v3 =	vperm.xlane v3, v2  }
0x149: {  	[hbm4b:s3+s2] =	stream.indirect_vreg.scatter [tilespmem:s8], [sflag:$0x1], $0x80, v4, vm0, $0xb8;
	[tilespmem:$0x18100] =	vst v63  }
0x14a: {  	s9 =	simm.s32 $0x15900;
	v3 =	vadd.s32 v1, v3  }
0x14b: {  	[hbm4b:s4+s2] =	stream.indirect_vreg.scatter [tilespmem:s9], [sflag:$0x1], $0x80, v4, vm0, $0xb8;
	[tilespmem:$0x18100] =	vst v63  }
0x14c: {  	s8 =	simm.s32 $0x16100  }
0x14d: {  	[hbm4b:s5+s2] =	stream.indirect_vreg.scatter [tilespmem:s8], [sflag:$0x1], $0x80, v4, vm0, $0xb8;
	[tilespmem:$0x18100] =	vst v63  }
0x14e: {  	s9 =	simm.s32 $0x16900  }
0x14f: {  	[hbm4b:s3+s2] =	stream.indirect_vreg.scatter [tilespmem:s9], [sflag:$0x1], $0x80, v3, vm0, $0xb8;
	[tilespmem:$0x18100] =	vst v63  }
0x150: {  	p0 =	sne.s32 s6, $0x1;
	s8 =	simm.s32 $0x17100  }
0x151: {  	[hbm4b:s4+s2] =	stream.indirect_vreg.scatter [tilespmem:s8], [sflag:$0x1], $0x80, v3, vm0, $0xb8;
	[tilespmem:$0x18100] =	vst v63  }
.Ltmp0:
0x152: {  	s9 =	simm.s32 $0x17900;
	(pc) =	sbr.rel @p0 .LBB2_1-.Ltmp0, $4  }
0x153: {  	[hbm4b:s5+s2] =	stream.indirect_vreg.scatter [tilespmem:s9], [sflag:$0x1], $0x80, v3, vm0, $0xb8;
	[tilespmem:$0x18100] =	vst v63  }
0x154: {  	_ =	swait.ge [sflag:s1], $0x18000  }
0x155: {  	[sflag:s1] =	ssyncset.done $0x0  }
0x156: {  	s6 =	sadd.s32 $0xFFFFFFFF, s6;
	[sflag:s1] =	ssyncadd.s32 $0xFFFE8000  }
0x157: {  	_ =	sfence.sel $0x180000  }
0x158: {  	[bflag:$0x0] =	sbarrier.arrive $0xFFFF  }
0x159: {  	_ =	strace $0x90000047  }
0x15a: {  	s0 =	stileid.u32;
	[bflag:$0x2] =	sbarrier.arrive $0xFFFF  }
0x15b: {  	p0 =	sne.s32 s0, $0x0;
	s0 =	rddreg [dreg:$0x2]  }
0x15c: {  	s0 =	sadd.s32 @!p0 $0x100000, s0  }
0x15d: {  	[sflag:s0] =	ssyncadd.tile.s32 @!p0 $0x1;
	_ =	shalt  }
.Lfunc_end2:
_tile_overlayer_lowered:
.L_overlay_start_2:
0x15e: {  	(tag) =	ssettag $0x2  }
0x15f: {  	s0 =	rddreg [dreg:$0x0];
	s2 =	stileid.u32  }
0x160: {  	s1 =	rddreg [dreg:$0x1];
	p0 =	sne.s32 s2, $0x0  }
0x161: {  	s3 =	rddreg [dreg:$0x2];
	[bflag:$0x3] =	sbarrier.arrive $0xFFFF;
	s2 =	simm.s32 @!p0 $0x1C02  }
0x162: {  	[timem:s3], [sflag:s2] =	dma.local @!p0 [hbm:s0], s1  }
0x163: {  	s0 =	simm.s32 @!p0 $0x2  }
0x164: {  	_ =	swait.ge @!p0 [sflag:s0], s1  }
0x165: {  	s1 =	ssub.s32 @!p0 $0x0, s1;
	[sflag:s0] =	ssyncset.done @!p0 $0x0  }
0x166: {  	[sflag:s0] =	ssyncadd.s32 @!p0 s1  }
0x167: {  	[bflag:$0x3] =	sbarrier.arrive $0xFFFF  }
0x168: {  	_ =	shalt  }

// kernel: kernel.9.cloned.1.call-start
scs
__scs_entry_jumppad:
0x0: {  	(pc) =	sbr.rel $0x88, $3  }
0x1: {  	(tag) =	ssettag $0x0;
	lr =	simm.s32 $0x1  }
0x2: {  	[smem:$0x3F9D] =	sst lr;
	_ =	strace $0xD0000000  }
0x3: {  	_ = 	snop  }
0x4: {  	_ = 	snop  }
0x5: {  	_ = 	snop  }
0x6: {  	_ = 	snop  }
0x7: {  	_ = 	snop  }
__scs_overlays_trampoline_lowered:
0x8: {  	[smem:$0x3FAC] =	sst s0  }
0x9: {  	[smem:$0x3FAD] =	sst s1  }
0xa: {  	[smem:$0x3FAE] =	sst s2  }
0xb: {  	[smem:$0x3FAF] =	sst s3  }
0xc: {  	[smem:$0x3FB0] =	sst s4  }
0xd: {  	[smem:$0x3FB1] =	sst s5  }
0xe: {  	[smem:$0x3FB2] =	sst s6  }
0xf: {  	[smem:$0x3FB3] =	sst s7  }
0x10: {  	[smem:$0x3FB4] =	sst s8  }
0x11: {  	[smem:$0x3FB5] =	sst s9;
	s0 =	simm.s32 @!p0 $0x0  }
0x12: {  	s1 =	sld [smem:$0x3F9B];
	s0 =	simm.s32 @p0 $0x1  }
0x13: {  	[smem:$0x3FB6] =	sst s0;
	s0 =	simm.s32 @!p1 $0x0  }
0x14: {  	s2 =	sld [smem:$0x3F9A];
	s0 =	simm.s32 @p1 $0x1  }
0x15: {  	[smem:$0x3FB7] =	sst s0;
	s0 =	simm.s32 @!p2 $0x0  }
0x16: {  	s3 =	sld [smem:$0x3FDB];
	s0 =	simm.s32 @p2 $0x1  }
0x17: {  	s4 =	simm.s32 $0x1BF5;
	[smem:$0x3FB9] =	sst s0  }
0x18: {  	s0 =	sld [smem:$0x3F9C];
	_ =	swait.ge [sflag:s4], $0x0  }
0x19: {  	s7 =	sld [smem:$0x3F9D]  }
0x1a: {  	s8 =	sadd.s32 $0xFFFFE003, lr  }
0x1b: {  	s9 =	sadd.s32 $0xFFFFFEF7, lr;
	s5 =	simm.s32 $0xFFFFFFFF;
	p2 =	slt.u32 s8, $0xFFFFF086  }
0x1c: {  	p1 =	slt.u32 s9, $0xF7A;
	s5 =	simm.s32 @!p2 $0x0  }
0x1d: {  	s5 =	simm.s32 @p1 $0x1;
	p0 =	seq.s32 s7, s2  }
0x1e: {  	s7 =	smul.u32 @!p0 $0xF7A, s2;
	p2 =	seq.s32 @!p0 s5, $0x0  }
0x1f: {  	s9 =	smul.u32 $0xF7A, s1;
	s8 =	simm.s32 @!p0 $0x1BF5;
	p2 =	por !p2, p0  }
0x20: {  	[sflag:s8] =	ssyncset.s32 @!p0 $0xFFFFF086;
	s6 =	sadd.s32 @!p0 s3, s7;
	s7 =	simm.s32 @!p0 $0x108  }
0x21: {  	s3 =	sadd.s32 s3, s9;
	s6 =	sadd.s32 @!p0 $0x88, s6;
	s7 =	simm.s32 @p2 $0x1082  }
0x22: {  	[simem:s7], [sflag:s8] =	dma.local @!p0 [hbm:s6], $0xF7A  }
0x23: {  	s9 =	sor.u32 $0xD0000000, s2;
	s6 =	simm.s32 $0x108;
	_ =	swait.ge @!p0 [sflag:s8], $0x0  }
0x24: {  	s3 =	sadd.s32 $0x88, s3;
	s6 =	simm.s32 @!p1 $0x1082;
	[sflag:s4] =	ssyncset.s32 $0xFFFFF086  }
0x25: {  	[simem:s6], [sflag:s4] =	dma.local [hbm:s3], $0xF7A  }
0x26: {  	[smem:$0x3F9D] =	sst s1;
	(tag) =	ssettag s2;
	_ =	strace s9  }
0x27: {  	s1 =	sld [smem:$0x3FAD]  }
0x28: {  	s2 =	sld [smem:$0x3FAE]  }
0x29: {  	s4 =	sld [smem:$0x3FB0]  }
0x2a: {  	p0 =	seq.s32 s5, $0x0;
	s5 =	sld [smem:$0x3FB1]  }
0x2b: {  	s6 =	sld [smem:$0x3FB2]  }
0x2c: {  	s7 =	sld [smem:$0x3FB3]  }
0x2d: {  	s3 =	simm.s32 $0x108;
	s8 =	sld [smem:$0x3FB4]  }
0x2e: {  	s3 =	simm.s32 @!p0 $0x1082;
	s9 =	sld [smem:$0x3FB5]  }
0x2f: {  	lr =	sadd.s32 s0, s3;
	s0 =	sld [smem:$0x3FAC]  }
0x30: {  	s3 =	sld [smem:$0x3FAF]  }
0x31: {  	[smem:$0x3FB8] =	sst s10  }
0x32: {  	s10 =	sld [smem:$0x3FB6];
	_ =	sdelay $0x3  }
0x33: {  	p0 =	seq.s32 s10, $0x1;
	s10 =	sld [smem:$0x3FB8];
	_ =	sdelay $0x3  }
0x34: {  	[smem:$0x3FB8] =	sst s10  }
0x35: {  	s10 =	sld [smem:$0x3FB7];
	_ =	sdelay $0x3  }
0x36: {  	p1 =	seq.s32 s10, $0x1;
	s10 =	sld [smem:$0x3FB8];
	_ =	sdelay $0x3  }
0x37: {  	[smem:$0x3FB8] =	sst s10  }
0x38: {  	s10 =	sld [smem:$0x3FB9]  }
0x39: {  	_ = 	snop;
	(pc) =	sbr.ind lr, $3  }
0x3a: {  	_ = 	snop  }
0x3b: {  	_ = 	snop  }
0x3c: {  	p2 =	seq.s32 s10, $0x1;
	s10 =	sld [smem:$0x3FB8]  }
0x3d: {  	_ =	shalt  }
0x3e: {  	_ =	shalt  }
0x3f: {  	_ =	shalt  }
0x40: {  	_ =	shalt  }
0x41: {  	_ =	shalt  }
0x42: {  	_ =	shalt  }
0x43: {  	_ =	shalt  }
0x44: {  	_ =	shalt  }
0x45: {  	_ =	shalt  }
0x46: {  	_ =	shalt  }
0x47: {  	_ =	shalt  }
0x48: {  	_ =	shalt  }
0x49: {  	_ =	shalt  }
0x4a: {  	_ =	shalt  }
0x4b: {  	_ =	shalt  }
0x4c: {  	_ =	shalt  }
0x4d: {  	_ =	shalt  }
0x4e: {  	_ =	shalt  }
0x4f: {  	_ =	shalt  }
0x50: {  	_ =	shalt  }
0x51: {  	_ =	shalt  }
0x52: {  	_ =	shalt  }
0x53: {  	_ =	shalt  }
0x54: {  	_ =	shalt  }
0x55: {  	_ =	shalt  }
0x56: {  	_ =	shalt  }
0x57: {  	_ =	shalt  }
0x58: {  	_ =	shalt  }
0x59: {  	_ =	shalt  }
0x5a: {  	_ =	shalt  }
0x5b: {  	_ =	shalt  }
0x5c: {  	_ =	shalt  }
0x5d: {  	_ =	shalt  }
0x5e: {  	_ =	shalt  }
0x5f: {  	_ =	shalt  }
0x60: {  	_ =	shalt  }
0x61: {  	_ =	shalt  }
0x62: {  	_ =	shalt  }
0x63: {  	_ =	shalt  }
0x64: {  	_ =	shalt  }
0x65: {  	_ =	shalt  }
0x66: {  	_ =	shalt  }
0x67: {  	_ =	shalt  }
0x68: {  	_ =	shalt  }
0x69: {  	_ =	shalt  }
0x6a: {  	_ =	shalt  }
0x6b: {  	_ =	shalt  }
0x6c: {  	_ =	shalt  }
0x6d: {  	_ =	shalt  }
0x6e: {  	_ =	shalt  }
0x6f: {  	_ =	shalt  }
0x70: {  	_ =	shalt  }
0x71: {  	_ =	shalt  }
0x72: {  	_ =	shalt  }
0x73: {  	_ =	shalt  }
0x74: {  	_ =	shalt  }
0x75: {  	_ =	shalt  }
0x76: {  	_ =	shalt  }
0x77: {  	_ =	shalt  }
0x78: {  	_ =	shalt  }
0x79: {  	_ =	shalt  }
0x7a: {  	_ =	shalt  }
0x7b: {  	_ =	shalt  }
0x7c: {  	_ =	shalt  }
0x7d: {  	_ =	shalt  }
0x7e: {  	_ =	shalt  }
0x7f: {  	_ =	shalt  }
0x80: {  	_ =	shalt  }
0x81: {  	_ =	shalt  }
0x82: {  	_ =	shalt  }
0x83: {  	_ =	shalt  }
0x84: {  	_ =	shalt  }
0x85: {  	_ =	shalt  }
0x86: {  	_ =	shalt  }
0x87: {  	_ =	shalt  }
.Lfunc_end0:
.L_simem_size_0:
called_computation.1_lowered:
.L_overlay_start_0:
0x88: {  	s2 =	sld [smem:$0x3FD9]  }
0x89: {  	s3 =	sld [smem:$0x3FFE];
	_ =	sdelay $0x1  }
0x8a: {  	s1 =	srdreg.scid  }
0x8b: {  	s0 =	sand.u32 $0x1, s1  }
0x8c: {  	s17 =	sshll.u32 s0, $0xA;
	s2 =	sadd.s32 s3, s2  }
0x8d: {  	s2 =	sadd.s32 s2, s17  }
0x8e: {  	[smem:$0x3FC4] =	sst s2  }
0x8f: {  	_ = 	snop  }
0x90: {  	s2 =	sld [smem:$0x3FD0];
	(tm) =	ssettm $0x1  }
0x91: {  	s18 =	sld [smem:$0x3FFB];
	_ =	sdelay $0x3  }
0x92: {  	_ =	strace s18  }
0x93: {  	s3 =	sld [smem:$0x3FFC];
	_ =	sdelay $0x3  }
0x94: {  	_ =	strace s3  }
0x95: {  	s3 =	sld [smem:$0x3FFD];
	_ =	sdelay $0x3  }
0x96: {  	_ =	strace s3  }
0x97: {  	_ =	strace $0x8FFFFFFF  }
0x98: {  	s19 =	sld [smem:$0x3FDB];
	_ =	sdelay $0x1  }
0x99: {  	s4 =	simm.s32 $_scs_section_size  }
0x9a: {  	s5 =	simm.s32 $_size__tile_overlayer_lowered;
	s6 =	simm.s32 $_tile_overlayer_lowered  }
0x9b: {  	s22 =	simm.s32 $0x1BFF;
	s21 =	sshll.u32 s6, $0x1;
	s3 =	sadd.s32 s4, s19  }
0x9c: {  	s7 =	simm.s32 $0x0;
	s20 =	sshll.u32 s5, $0x1;
	s5 =	sadd.s32 s21, s3  }
0x9d: {  	[timem:s7], [sflag:s22] =	dma.local [hbm:s5], s20  }
0x9e: {  	_ =	swait.ge [sflag:s22], s20  }
0x9f: {  	s4 =	ssub.s32 $0x0, s20;
	[sflag:s22] =	ssyncset.done $0x0  }
0xa0: {  	[sflag:s22] =	ssyncadd.s32 s4;
	_ =	sdelay $0x1  }
0xa1: {  	s23 =	simm.s32 $0x1B8B  }
0xa2: {  	_ =	swait.ge [sflag:s23], $0x1  }
0xa3: {  	[sflag:s23] =	ssyncset.done $0x0  }
0xa4: {  	s25 =	simm.s32 $0x1B8E;
	s24 =	sld [smem:$0x3FFE];
	[sflag:s23] =	ssyncadd.s32 $0xFFFFFFFF  }
0xa5: {  	s26 =	simm.s32 $execute0_lowered;
	[smem:$0x3FD2] =	sst s25  }
0xa6: {  	s5 =	sshll.u32 s26, $0x1;
	_ =	strace $0x80000049;
	[dreg:$0x1] =	wrdreg $0xFFFFFFFF  }
0xa7: {  	s28 =	simm.s32 $_size_execute0_lowered;
	s3 =	sadd.s32 s3, s5;
	[dreg:$0x0] =	wrdreg $0x0  }
0xa8: {  	s5 =	sshll.u32 s28, $0x1;
	[dreg:$0x2] =	wrdreg s3  }
0xa9: {  	[dreg:$0x3] =	wrdreg s5  }
0xaa: {  	[dreg:$0x4] =	wrdreg $0xC0  }
0xab: {  	_ =	task [dreg:s7], $0x5FFFF  }
0xac: {  	[dreg:$0x1] =	wrdreg $0xFFFFFFFF  }
0xad: {  	[dreg:$0x0] =	wrdreg $0x60  }
0xae: {  	[dreg:$0x2] =	wrdreg s24  }
0xaf: {  	[dreg:$0x3] =	wrdreg s2  }
0xb0: {  	[dreg:$0x4] =	wrdreg $0x9  }
0xb1: {  	_ =	task.clear_ibuf [dreg:s7], $0x5FFFF;
	_ =	strace $0x90000049  }
0xb2: {  	s29 =	simm.s32 $0x9;
	_ =	strace $0x8000004B  }
0xb3: {  	_ =	swait.ge [sflag:s29], $0x1  }
0xb4: {  	[sflag:s29] =	ssyncadd.s32 $0xFFFFFFFF  }
0xb5: {  	_ =	strace $0x9000004B  }
0xb6: {  	_ =	sfence  }
0xb7: {  	s30 =	sld [smem:$0x0];
	_ =	sdelay $0x2  }
0xb8: {  	s31 =	sshll.u32 s1, $0xD;
	s1 =	sshrl.u32 s1, $0x2  }
0xb9: {  	s3 =	sand.u32 $0x4000, s31;
	s1 =	sadd.s32 s1, s30  }
0xba: {  	s0 =	sor.u32 s3, s0;
	s1 =	sshll.u32 s1, $0x11  }
0xbb: {  	s0 =	sor.u32 s1, s0  }
0xbc: {  	s0 =	sadd.s32 $0x8F2B, s0  }
0xbd: {  	[sflag:s0] =	ssyncadd.remote.s32 $0x1  }
0xbe: {  	_ =	sfence.sel $0xFFFF  }
0xbf: {  	[dreg:$0x0] =	wrdreg $0xFFFFFFFF;
	(pc) =	sbr.abs _section_cstart, $3  }
0xc0: {  	[dreg:$0x1] =	wrdreg $0xFFFFFFFF  }
0xc1: {  	_ =	task.clear_ibuf [dreg:s7], $0x2FFFF;
	_ =	strace $0x9FFFFFFF  }
0xc2: {  	(tm) =	ssettm $0x7FFFFFFF  }
0xc3: {  	_ =	shalt  }
tec
execute0_lowered:
.L_overlay_start_1:
0x0: {  	(tag) =	ssettag $0x1  }
0x1: {  	s0 =	rddreg [dreg:$0x0]  }
0x2: {  	s1 =	rddreg [dreg:$0x1]  }
0x3: {  	s2 =	srdreg.scid;
	s3 =	stileid.u32;
	s10 =	simm.s32 $0x900  }
0x4: {  	s11 =	simm.s32 $0x1100;
	s12 =	simm.s32 $0x1900;
	s13 =	simm.s32 $0x2100  }
0x5: {  	s14 =	simm.s32 $0x2900;
	s15 =	simm.s32 $0x3100;
	s16 =	simm.s32 $0x3900  }
0x6: {  	s17 =	simm.s32 $0x4100;
	s18 =	simm.s32 $0x4900;
	s19 =	simm.s32 $0x5100  }
0x7: {  	s20 =	simm.s32 $0x5900;
	s21 =	simm.s32 $0x6100;
	s22 =	simm.s32 $0x6900  }
0x8: {  	s23 =	simm.s32 $0x7100;
	s24 =	simm.s32 $0x7900;
	s25 =	simm.s32 $0x8100  }
0x9: {  	s28 =	simm.s32 $0x9100;
	s29 =	simm.s32 $0x9900;
	s30 =	simm.s32 $0xA100  }
0xa: {  	s31 =	simm.s32 $0xA900;
	s4 =	sand.u32 $0x1, s2;
	s2 =	simm.s32 $0x0  }
0xb: {  	s3 =	sshll.u32 s3, $0x6;
	s5 =	sshll.u32 s4, $0x5;
	[smem:$0x7FF] =	sst s2  }
0xc: {  	s4 =	ssub.s32 $0x2, s4;
	s5 =	sor.u32 s5, s3;
	_ =	strace $0x8000004A  }
0xd: {  	s3 =	sadd.s32 $0xF0E00, s0;
	s8 =	sshrl.u32 s4, $0x1;
	s6 =	smul.u32 $0x1800, s5  }
0xe: {  	s7 =	sadd.s32 s5, s0;
	s5 =	smul.u32 $0x300, s5;
	s26 =	ssub.s32 s4, s8  }
0xf: {  	s4 =	sadd.s32 $0xF0F00, s0;
	s8 =	simm.s32 $0xB900;
	s7 =	sadd.s32 $0x600, s7  }
0x10: {  	s6 =	sshrl.u32 s6, $0x3;
	[dreg:$0x3] =	wrdreg s7;
	s5 =	sadd.s32 s1, s5  }
0x11: {  	v2 =	vlaneseq.u32;
	s7 =	simm.s32 $0x2;
	s1 =	sadd.s32 s1, s6;
	[dreg:$0x4] =	wrdreg s5  }
0x12: {  	vm0 =	vmmov $0xffff;
	v1 =	vshrl.u32 v2, $0x3;
	s5 =	sadd.s32 $0xF1000, s0;
	s6 =	smax.u32 s26, $0x1;
	s1 =	sadd.s32 $0x3000, s1  }
0x13: {  	v0 =	vand.u32 $0x7, v2;
	v2 =	vor.u32 $0x8, v2;
	v1 =	vmul.u32 $0x8, v1;
	s26 =	simm.s32 $0x8900;
	[dreg:$0x5] =	wrdreg s1;
	s1 =	simm.s32 $0x1  }
.LBB2_1:
0x14: {  	s9 =	rddreg [dreg:$0x3]  }
0x15: {  	[tilespmem:s2], [sflag:$0x2] =	stream.linear.gather [hbm4b:s9+s2], $0x100, $0x38;
	[tilespmem:$0x18100] =	vst v63  }
0x16: {  	_ =	swait.ge [sflag:s7], $0x100  }
0x17: {  	[sflag:s7] =	ssyncset.done $0x0  }
0x18: {  	[sflag:s7] =	ssyncadd.s32 $0xFFFFFF00  }
0x19: {  	v3 =	vld [tilespmem:$0x0];
	_ =	sdelay $0x4  }
0x1a: {  	v4 =	vshrl.u32 v3, $0x3  }
0x1b: {  	v4 =	vmul.u32 $0x30, v4  }
0x1c: {  	v3 =	vand.u32 $0x7, v3  }
0x1d: {  	v3 =	vor.u32 v3, v4  }
0x1e: {  	v4 =	vperm.xlane v3, v0;
	_ =	sdelay $0x1  }
0x1f: {  	v4 =	vadd.s32 v1, v4;
	_ =	sdelay $0x3  }
0x20: {  	s0 =	simm.s32 $0x100;
	v3 =	vperm.xlane v3, v2  }
0x21: {  	[tilespmem:s0], [sflag:$0x1] =	stream.indirect_vreg.gather [hbm4b:s3+s2], $0x80, v4, vm0, $0xb8;
	[tilespmem:$0x18100] =	vst v63  }
0x22: {  	v3 =	vadd.s32 v1, v3  }
0x23: {  	[tilespmem:s10], [sflag:$0x1] =	stream.indirect_vreg.gather [hbm4b:s4+s2], $0x80, v4, vm0, $0xb8;
	[tilespmem:$0x18100] =	vst v63  }
0x24: {  	_ = 	snop  }
0x25: {  	[tilespmem:s11], [sflag:$0x1] =	stream.indirect_vreg.gather [hbm4b:s5+s2], $0x80, v4, vm0, $0xb8;
	[tilespmem:$0x18100] =	vst v63  }
0x26: {  	_ = 	snop  }
0x27: {  	[tilespmem:s12], [sflag:$0x1] =	stream.indirect_vreg.gather [hbm4b:s3+s2], $0x80, v3, vm0, $0xb8;
	[tilespmem:$0x18100] =	vst v63  }
0x28: {  	_ = 	snop  }
0x29: {  	[tilespmem:s13], [sflag:$0x1] =	stream.indirect_vreg.gather [hbm4b:s4+s2], $0x80, v3, vm0, $0xb8;
	[tilespmem:$0x18100] =	vst v63  }
0x2a: {  	_ = 	snop  }
0x2b: {  	[tilespmem:s14], [sflag:$0x1] =	stream.indirect_vreg.gather [hbm4b:s5+s2], $0x80, v3, vm0, $0xb8;
	[tilespmem:$0x18100] =	vst v63  }
0x2c: {  	v3 =	vld [tilespmem:$0x10];
	_ =	sdelay $0x4  }
0x2d: {  	v49 =	vshrl.u32 v3, $0x3  }
0x2e: {  	v4 =	vmul.u32 $0x30, v49  }
0x2f: {  	v3 =	vand.u32 $0x7, v3  }
0x30: {  	v3 =	vor.u32 v3, v4  }
0x31: {  	v4 =	vperm.xlane v3, v0;
	_ =	sdelay $0x1  }
0x32: {  	v4 =	vadd.s32 v1, v4;
	_ =	sdelay $0x3  }
0x33: {  	v3 =	vperm.xlane v3, v2  }
0x34: {  	[tilespmem:s15], [sflag:$0x1] =	stream.indirect_vreg.gather [hbm4b:s3+s2], $0x80, v4, vm0, $0xb8;
	[tilespmem:$0x18100] =	vst v63  }
0x35: {  	v3 =	vadd.s32 v1, v3  }
0x36: {  	[tilespmem:s16], [sflag:$0x1] =	stream.indirect_vreg.gather [hbm4b:s4+s2], $0x80, v4, vm0, $0xb8;
	[tilespmem:$0x18100] =	vst v63  }
0x37: {  	_ = 	snop  }
0x38: {  	[tilespmem:s17], [sflag:$0x1] =	stream.indirect_vreg.gather [hbm4b:s5+s2], $0x80, v4, vm0, $0xb8;
	[tilespmem:$0x18100] =	vst v63  }
0x39: {  	_ = 	snop  }
0x3a: {  	[tilespmem:s18], [sflag:$0x1] =	stream.indirect_vreg.gather [hbm4b:s3+s2], $0x80, v3, vm0, $0xb8;
	[tilespmem:$0x18100] =	vst v63  }
0x3b: {  	_ = 	snop  }
0x3c: {  	[tilespmem:s19], [sflag:$0x1] =	stream.indirect_vreg.gather [hbm4b:s4+s2], $0x80, v3, vm0, $0xb8;
	[tilespmem:$0x18100] =	vst v63  }
0x3d: {  	_ = 	snop  }
0x3e: {  	[tilespmem:s20], [sflag:$0x1] =	stream.indirect_vreg.gather [hbm4b:s5+s2], $0x80, v3, vm0, $0xb8;
	[tilespmem:$0x18100] =	vst v63  }
0x3f: {  	v3 =	vld [tilespmem:$0x20];
	_ =	sdelay $0x4  }
0x40: {  	v50 =	vshrl.u32 v3, $0x3  }
0x41: {  	v4 =	vmul.u32 $0x30, v50  }
0x42: {  	v3 =	vand.u32 $0x7, v3  }
0x43: {  	v3 =	vor.u32 v3, v4  }
0x44: {  	v4 =	vperm.xlane v3, v0;
	_ =	sdelay $0x1  }
0x45: {  	v4 =	vadd.s32 v1, v4;
	_ =	sdelay $0x3  }
0x46: {  	v3 =	vperm.xlane v3, v2  }
0x47: {  	[tilespmem:s21], [sflag:$0x1] =	stream.indirect_vreg.gather [hbm4b:s3+s2], $0x80, v4, vm0, $0xb8;
	[tilespmem:$0x18100] =	vst v63  }
0x48: {  	v3 =	vadd.s32 v1, v3  }
0x49: {  	[tilespmem:s22], [sflag:$0x1] =	stream.indirect_vreg.gather [hbm4b:s4+s2], $0x80, v4, vm0, $0xb8;
	[tilespmem:$0x18100] =	vst v63  }
0x4a: {  	_ = 	snop  }
0x4b: {  	[tilespmem:s23], [sflag:$0x1] =	stream.indirect_vreg.gather [hbm4b:s5+s2], $0x80, v4, vm0, $0xb8;
	[tilespmem:$0x18100] =	vst v63  }
0x4c: {  	_ = 	snop  }
0x4d: {  	[tilespmem:s24], [sflag:$0x1] =	stream.indirect_vreg.gather [hbm4b:s3+s2], $0x80, v3, vm0, $0xb8;
	[tilespmem:$0x18100] =	vst v63  }
0x4e: {  	_ = 	snop  }
0x4f: {  	[tilespmem:s25], [sflag:$0x1] =	stream.indirect_vreg.gather [hbm4b:s4+s2], $0x80, v3, vm0, $0xb8;
	[tilespmem:$0x18100] =	vst v63  }
0x50: {  	_ = 	snop  }
0x51: {  	[tilespmem:s26], [sflag:$0x1] =	stream.indirect_vreg.gather [hbm4b:s5+s2], $0x80, v3, vm0, $0xb8;
	[tilespmem:$0x18100] =	vst v63  }
0x52: {  	v3 =	vld [tilespmem:$0x30];
	_ =	sdelay $0x4  }
0x53: {  	v51 =	vshrl.u32 v3, $0x3  }
0x54: {  	v4 =	vmul.u32 $0x30, v51  }
0x55: {  	v3 =	vand.u32 $0x7, v3  }
0x56: {  	v3 =	vor.u32 v3, v4  }
0x57: {  	v4 =	vperm.xlane v3, v0;
	_ =	sdelay $0x1  }
0x58: {  	v4 =	vadd.s32 v1, v4;
	_ =	sdelay $0x3  }
0x59: {  	v3 =	vperm.xlane v3, v2  }
0x5a: {  	[tilespmem:s28], [sflag:$0x1] =	stream.indirect_vreg.gather [hbm4b:s3+s2], $0x80, v4, vm0, $0xb8;
	[tilespmem:$0x18100] =	vst v63  }
0x5b: {  	v3 =	vadd.s32 v1, v3  }
0x5c: {  	[tilespmem:s29], [sflag:$0x1] =	stream.indirect_vreg.gather [hbm4b:s4+s2], $0x80, v4, vm0, $0xb8;
	[tilespmem:$0x18100] =	vst v63  }
0x5d: {  	_ = 	snop  }
0x5e: {  	[tilespmem:s30], [sflag:$0x1] =	stream.indirect_vreg.gather [hbm4b:s5+s2], $0x80, v4, vm0, $0xb8;
	[tilespmem:$0x18100] =	vst v63  }
0x5f: {  	_ = 	snop  }
0x60: {  	[tilespmem:s31], [sflag:$0x1] =	stream.indirect_vreg.gather [hbm4b:s3+s2], $0x80, v3, vm0, $0xb8;
	[tilespmem:$0x18100] =	vst v63  }
0x61: {  	s9 =	simm.s32 $0xB100  }
0x62: {  	[tilespmem:s9], [sflag:$0x1] =	stream.indirect_vreg.gather [hbm4b:s4+s2], $0x80, v3, vm0, $0xb8;
	[tilespmem:$0x18100] =	vst v63  }
0x63: {  	_ = 	snop  }
0x64: {  	[tilespmem:s8], [sflag:$0x1] =	stream.indirect_vreg.gather [hbm4b:s5+s2], $0x80, v3, vm0, $0xb8;
	[tilespmem:$0x18100] =	vst v63  }
0x65: {  	v3 =	vld [tilespmem:$0x40];
	_ =	sdelay $0x4  }
0x66: {  	v52 =	vshrl.u32 v3, $0x3  }
0x67: {  	v4 =	vmul.u32 $0x30, v52  }
0x68: {  	v3 =	vand.u32 $0x7, v3  }
0x69: {  	v3 =	vor.u32 v3, v4  }
0x6a: {  	v4 =	vperm.xlane v3, v0;
	_ =	sdelay $0x1  }
0x6b: {  	v4 =	vadd.s32 v1, v4;
	_ =	sdelay $0x3  }
0x6c: {  	s9 =	simm.s32 $0xC100;
	v3 =	vperm.xlane v3, v2  }
0x6d: {  	[tilespmem:s9], [sflag:$0x1] =	stream.indirect_vreg.gather [hbm4b:s3+s2], $0x80, v4, vm0, $0xb8;
	[tilespmem:$0x18100] =	vst v63  }
0x6e: {  	v3 =	vadd.s32 v1, v3;
	s9 =	simm.s32 $0xC900  }
0x6f: {  	[tilespmem:s9], [sflag:$0x1] =	stream.indirect_vreg.gather [hbm4b:s4+s2], $0x80, v4, vm0, $0xb8;
	[tilespmem:$0x18100] =	vst v63  }
0x70: {  	s9 =	simm.s32 $0xD100  }
0x71: {  	[tilespmem:s9], [sflag:$0x1] =	stream.indirect_vreg.gather [hbm4b:s5+s2], $0x80, v4, vm0, $0xb8;
	[tilespmem:$0x18100] =	vst v63  }
0x72: {  	s9 =	simm.s32 $0xD900  }
0x73: {  	[tilespmem:s9], [sflag:$0x1] =	stream.indirect_vreg.gather [hbm4b:s3+s2], $0x80, v3, vm0, $0xb8;
	[tilespmem:$0x18100] =	vst v63  }
0x74: {  	s9 =	simm.s32 $0xE100  }
0x75: {  	[tilespmem:s9], [sflag:$0x1] =	stream.indirect_vreg.gather [hbm4b:s4+s2], $0x80, v3, vm0, $0xb8;
	[tilespmem:$0x18100] =	vst v63  }
0x76: {  	s9 =	simm.s32 $0xE900  }
0x77: {  	[tilespmem:s9], [sflag:$0x1] =	stream.indirect_vreg.gather [hbm4b:s5+s2], $0x80, v3, vm0, $0xb8;
	[tilespmem:$0x18100] =	vst v63  }
0x78: {  	v3 =	vld [tilespmem:$0x50];
	_ =	sdelay $0x4  }
0x79: {  	v53 =	vshrl.u32 v3, $0x3  }
0x7a: {  	v4 =	vmul.u32 $0x30, v53  }
0x7b: {  	v3 =	vand.u32 $0x7, v3  }
0x7c: {  	v3 =	vor.u32 v3, v4  }
0x7d: {  	v4 =	vperm.xlane v3, v0;
	_ =	sdelay $0x1  }
0x7e: {  	v4 =	vadd.s32 v1, v4;
	_ =	sdelay $0x3  }
0x7f: {  	s9 =	simm.s32 $0xF100;
	v3 =	vperm.xlane v3, v2  }
0x80: {  	[tilespmem:s9], [sflag:$0x1] =	stream.indirect_vreg.gather [hbm4b:s3+s2], $0x80, v4, vm0, $0xb8;
	[tilespmem:$0x18100] =	vst v63  }
0x81: {  	v3 =	vadd.s32 v1, v3;
	s9 =	simm.s32 $0xF900  }
0x82: {  	[tilespmem:s9], [sflag:$0x1] =	stream.indirect_vreg.gather [hbm4b:s4+s2], $0x80, v4, vm0, $0xb8;
	[tilespmem:$0x18100] =	vst v63  }
0x83: {  	s9 =	simm.s32 $0x10100  }
0x84: {  	[tilespmem:s9], [sflag:$0x1] =	stream.indirect_vreg.gather [hbm4b:s5+s2], $0x80, v4, vm0, $0xb8;
	[tilespmem:$0x18100] =	vst v63  }
0x85: {  	s9 =	simm.s32 $0x10900  }
0x86: {  	[tilespmem:s9], [sflag:$0x1] =	stream.indirect_vreg.gather [hbm4b:s3+s2], $0x80, v3, vm0, $0xb8;
	[tilespmem:$0x18100] =	vst v63  }
0x87: {  	s9 =	simm.s32 $0x11100  }
0x88: {  	[tilespmem:s9], [sflag:$0x1] =	stream.indirect_vreg.gather [hbm4b:s4+s2], $0x80, v3, vm0, $0xb8;
	[tilespmem:$0x18100] =	vst v63  }
0x89: {  	s9 =	simm.s32 $0x11900  }
0x8a: {  	[tilespmem:s9], [sflag:$0x1] =	stream.indirect_vreg.gather [hbm4b:s5+s2], $0x80, v3, vm0, $0xb8;
	[tilespmem:$0x18100] =	vst v63  }
0x8b: {  	v3 =	vld [tilespmem:$0x60];
	_ =	sdelay $0x4  }
0x8c: {  	v54 =	vshrl.u32 v3, $0x3  }
0x8d: {  	v4 =	vmul.u32 $0x30, v54  }
0x8e: {  	v3 =	vand.u32 $0x7, v3  }
0x8f: {  	v3 =	vor.u32 v3, v4  }
0x90: {  	v4 =	vperm.xlane v3, v0;
	_ =	sdelay $0x1  }
0x91: {  	v4 =	vadd.s32 v1, v4;
	_ =	sdelay $0x3  }
0x92: {  	s9 =	simm.s32 $0x12100;
	v3 =	vperm.xlane v3, v2  }
0x93: {  	[tilespmem:s9], [sflag:$0x1] =	stream.indirect_vreg.gather [hbm4b:s3+s2], $0x80, v4, vm0, $0xb8;
	[tilespmem:$0x18100] =	vst v63  }
0x94: {  	v3 =	vadd.s32 v1, v3;
	s9 =	simm.s32 $0x12900  }
0x95: {  	[tilespmem:s9], [sflag:$0x1] =	stream.indirect_vreg.gather [hbm4b:s4+s2], $0x80, v4, vm0, $0xb8;
	[tilespmem:$0x18100] =	vst v63  }
0x96: {  	s9 =	simm.s32 $0x13100  }
0x97: {  	[tilespmem:s9], [sflag:$0x1] =	stream.indirect_vreg.gather [hbm4b:s5+s2], $0x80, v4, vm0, $0xb8;
	[tilespmem:$0x18100] =	vst v63  }
0x98: {  	s9 =	simm.s32 $0x13900  }
0x99: {  	[tilespmem:s9], [sflag:$0x1] =	stream.indirect_vreg.gather [hbm4b:s3+s2], $0x80, v3, vm0, $0xb8;
	[tilespmem:$0x18100] =	vst v63  }
0x9a: {  	s9 =	simm.s32 $0x14100  }
0x9b: {  	[tilespmem:s9], [sflag:$0x1] =	stream.indirect_vreg.gather [hbm4b:s4+s2], $0x80, v3, vm0, $0xb8;
	[tilespmem:$0x18100] =	vst v63  }
0x9c: {  	s9 =	simm.s32 $0x14900  }
0x9d: {  	[tilespmem:s9], [sflag:$0x1] =	stream.indirect_vreg.gather [hbm4b:s5+s2], $0x80, v3, vm0, $0xb8;
	[tilespmem:$0x18100] =	vst v63  }
0x9e: {  	v3 =	vld [tilespmem:$0x70];
	_ =	sdelay $0x4  }
0x9f: {  	v55 =	vshrl.u32 v3, $0x3  }
0xa0: {  	v4 =	vmul.u32 $0x30, v55  }
0xa1: {  	v3 =	vand.u32 $0x7, v3  }
0xa2: {  	v3 =	vor.u32 v3, v4  }
0xa3: {  	v4 =	vperm.xlane v3, v0;
	_ =	sdelay $0x1  }
0xa4: {  	v4 =	vadd.s32 v1, v4;
	_ =	sdelay $0x3  }
0xa5: {  	s9 =	simm.s32 $0x15100;
	v3 =	vperm.xlane v3, v2  }
0xa6: {  	[tilespmem:s9], [sflag:$0x1] =	stream.indirect_vreg.gather [hbm4b:s3+s2], $0x80, v4, vm0, $0xb8;
	[tilespmem:$0x18100] =	vst v63  }
0xa7: {  	v3 =	vadd.s32 v1, v3;
	s9 =	simm.s32 $0x15900  }
0xa8: {  	[tilespmem:s9], [sflag:$0x1] =	stream.indirect_vreg.gather [hbm4b:s4+s2], $0x80, v4, vm0, $0xb8;
	[tilespmem:$0x18100] =	vst v63  }
0xa9: {  	s9 =	simm.s32 $0x16100  }
0xaa: {  	[tilespmem:s9], [sflag:$0x1] =	stream.indirect_vreg.gather [hbm4b:s5+s2], $0x80, v4, vm0, $0xb8;
	[tilespmem:$0x18100] =	vst v63  }
0xab: {  	s9 =	simm.s32 $0x16900  }
0xac: {  	[tilespmem:s9], [sflag:$0x1] =	stream.indirect_vreg.gather [hbm4b:s3+s2], $0x80, v3, vm0, $0xb8;
	[tilespmem:$0x18100] =	vst v63  }
0xad: {  	s9 =	simm.s32 $0x17100  }
0xae: {  	[tilespmem:s9], [sflag:$0x1] =	stream.indirect_vreg.gather [hbm4b:s4+s2], $0x80, v3, vm0, $0xb8;
	[tilespmem:$0x18100] =	vst v63  }
0xaf: {  	s9 =	simm.s32 $0x17900  }
0xb0: {  	[tilespmem:s9], [sflag:$0x1] =	stream.indirect_vreg.gather [hbm4b:s5+s2], $0x80, v3, vm0, $0xb8;
	[tilespmem:$0x18100] =	vst v63  }
0xb1: {  	_ =	swait.ge [sflag:s1], $0x18000  }
0xb2: {  	[sflag:s1] =	ssyncset.done $0x0  }
0xb3: {  	s0 =	simm.s32 $0x100;
	s9 =	rddreg [dreg:$0x4];
	[sflag:s1] =	ssyncadd.s32 $0xFFFE8000  }
0xb4: {  	[hbm4b:s9+s2] =	stream.linear.scatter [tilespmem:s0], [sflag:$0x2], $0x18000, $0x38;
	[tilespmem:$0x18100] =	vst v63  }
0xb5: {  	_ =	swait.ge [sflag:s7], $0x18000  }
0xb6: {  	[sflag:s7] =	ssyncset.done $0x0  }
0xb7: {  	[sflag:s7] =	ssyncadd.s32 $0xFFFE8000  }
0xb8: {  	v3 =	vld [tilespmem:$0x80];
	_ =	sdelay $0x4  }
0xb9: {  	v56 =	vshrl.u32 v3, $0x3  }
0xba: {  	v4 =	vmul.u32 $0x30, v56  }
0xbb: {  	v3 =	vand.u32 $0x7, v3  }
0xbc: {  	v3 =	vor.u32 v3, v4  }
0xbd: {  	v4 =	vperm.xlane v3, v0;
	_ =	sdelay $0x1  }
0xbe: {  	v4 =	vadd.s32 v1, v4;
	_ =	sdelay $0x3  }
0xbf: {  	v3 =	vperm.xlane v3, v2  }
0xc0: {  	[tilespmem:s0], [sflag:$0x1] =	stream.indirect_vreg.gather [hbm4b:s3+s2], $0x80, v4, vm0, $0xb8;
	[tilespmem:$0x18100] =	vst v63  }
0xc1: {  	v3 =	vadd.s32 v1, v3  }
0xc2: {  	[tilespmem:s10], [sflag:$0x1] =	stream.indirect_vreg.gather [hbm4b:s4+s2], $0x80, v4, vm0, $0xb8;
	[tilespmem:$0x18100] =	vst v63  }
0xc3: {  	_ = 	snop  }
0xc4: {  	[tilespmem:s11], [sflag:$0x1] =	stream.indirect_vreg.gather [hbm4b:s5+s2], $0x80, v4, vm0, $0xb8;
	[tilespmem:$0x18100] =	vst v63  }
0xc5: {  	_ = 	snop  }
0xc6: {  	[tilespmem:s12], [sflag:$0x1] =	stream.indirect_vreg.gather [hbm4b:s3+s2], $0x80, v3, vm0, $0xb8;
	[tilespmem:$0x18100] =	vst v63  }
0xc7: {  	_ = 	snop  }
0xc8: {  	[tilespmem:s13], [sflag:$0x1] =	stream.indirect_vreg.gather [hbm4b:s4+s2], $0x80, v3, vm0, $0xb8;
	[tilespmem:$0x18100] =	vst v63  }
0xc9: {  	_ = 	snop  }
0xca: {  	[tilespmem:s14], [sflag:$0x1] =	stream.indirect_vreg.gather [hbm4b:s5+s2], $0x80, v3, vm0, $0xb8;
	[tilespmem:$0x18100] =	vst v63  }
0xcb: {  	v3 =	vld [tilespmem:$0x90];
	_ =	sdelay $0x4  }
0xcc: {  	v57 =	vshrl.u32 v3, $0x3  }
0xcd: {  	v4 =	vmul.u32 $0x30, v57  }
0xce: {  	v3 =	vand.u32 $0x7, v3  }
0xcf: {  	v3 =	vor.u32 v3, v4  }
0xd0: {  	v4 =	vperm.xlane v3, v0;
	_ =	sdelay $0x1  }
0xd1: {  	v4 =	vadd.s32 v1, v4;
	_ =	sdelay $0x3  }
0xd2: {  	v3 =	vperm.xlane v3, v2  }
0xd3: {  	[tilespmem:s15], [sflag:$0x1] =	stream.indirect_vreg.gather [hbm4b:s3+s2], $0x80, v4, vm0, $0xb8;
	[tilespmem:$0x18100] =	vst v63  }
0xd4: {  	v3 =	vadd.s32 v1, v3  }
0xd5: {  	[tilespmem:s16], [sflag:$0x1] =	stream.indirect_vreg.gather [hbm4b:s4+s2], $0x80, v4, vm0, $0xb8;
	[tilespmem:$0x18100] =	vst v63  }
0xd6: {  	_ = 	snop  }
0xd7: {  	[tilespmem:s17], [sflag:$0x1] =	stream.indirect_vreg.gather [hbm4b:s5+s2], $0x80, v4, vm0, $0xb8;
	[tilespmem:$0x18100] =	vst v63  }
0xd8: {  	_ = 	snop  }
0xd9: {  	[tilespmem:s18], [sflag:$0x1] =	stream.indirect_vreg.gather [hbm4b:s3+s2], $0x80, v3, vm0, $0xb8;
	[tilespmem:$0x18100] =	vst v63  }
0xda: {  	_ = 	snop  }
0xdb: {  	[tilespmem:s19], [sflag:$0x1] =	stream.indirect_vreg.gather [hbm4b:s4+s2], $0x80, v3, vm0, $0xb8;
	[tilespmem:$0x18100] =	vst v63  }
0xdc: {  	_ = 	snop  }
0xdd: {  	[tilespmem:s20], [sflag:$0x1] =	stream.indirect_vreg.gather [hbm4b:s5+s2], $0x80, v3, vm0, $0xb8;
	[tilespmem:$0x18100] =	vst v63  }
0xde: {  	v3 =	vld [tilespmem:$0xA0];
	_ =	sdelay $0x4  }
0xdf: {  	v58 =	vshrl.u32 v3, $0x3  }
0xe0: {  	v4 =	vmul.u32 $0x30, v58  }
0xe1: {  	v3 =	vand.u32 $0x7, v3  }
0xe2: {  	v3 =	vor.u32 v3, v4  }
0xe3: {  	v4 =	vperm.xlane v3, v0;
	_ =	sdelay $0x1  }
0xe4: {  	v4 =	vadd.s32 v1, v4;
	_ =	sdelay $0x3  }
0xe5: {  	v3 =	vperm.xlane v3, v2  }
0xe6: {  	[tilespmem:s21], [sflag:$0x1] =	stream.indirect_vreg.gather [hbm4b:s3+s2], $0x80, v4, vm0, $0xb8;
	[tilespmem:$0x18100] =	vst v63  }
0xe7: {  	v3 =	vadd.s32 v1, v3  }
0xe8: {  	[tilespmem:s22], [sflag:$0x1] =	stream.indirect_vreg.gather [hbm4b:s4+s2], $0x80, v4, vm0, $0xb8;
	[tilespmem:$0x18100] =	vst v63  }
0xe9: {  	_ = 	snop  }
0xea: {  	[tilespmem:s23], [sflag:$0x1] =	stream.indirect_vreg.gather [hbm4b:s5+s2], $0x80, v4, vm0, $0xb8;
	[tilespmem:$0x18100] =	vst v63  }
0xeb: {  	_ = 	snop  }
0xec: {  	[tilespmem:s24], [sflag:$0x1] =	stream.indirect_vreg.gather [hbm4b:s3+s2], $0x80, v3, vm0, $0xb8;
	[tilespmem:$0x18100] =	vst v63  }
0xed: {  	_ = 	snop  }
0xee: {  	[tilespmem:s25], [sflag:$0x1] =	stream.indirect_vreg.gather [hbm4b:s4+s2], $0x80, v3, vm0, $0xb8;
	[tilespmem:$0x18100] =	vst v63  }
0xef: {  	_ = 	snop  }
0xf0: {  	[tilespmem:s26], [sflag:$0x1] =	stream.indirect_vreg.gather [hbm4b:s5+s2], $0x80, v3, vm0, $0xb8;
	[tilespmem:$0x18100] =	vst v63  }
0xf1: {  	v3 =	vld [tilespmem:$0xB0];
	_ =	sdelay $0x4  }
0xf2: {  	v59 =	vshrl.u32 v3, $0x3  }
0xf3: {  	v4 =	vmul.u32 $0x30, v59  }
0xf4: {  	v3 =	vand.u32 $0x7, v3  }
0xf5: {  	v3 =	vor.u32 v3, v4  }
0xf6: {  	v4 =	vperm.xlane v3, v0;
	_ =	sdelay $0x1  }
0xf7: {  	v4 =	vadd.s32 v1, v4;
	_ =	sdelay $0x3  }
0xf8: {  	v3 =	vperm.xlane v3, v2  }
0xf9: {  	[tilespmem:s28], [sflag:$0x1] =	stream.indirect_vreg.gather [hbm4b:s3+s2], $0x80, v4, vm0, $0xb8;
	[tilespmem:$0x18100] =	vst v63  }
0xfa: {  	v3 =	vadd.s32 v1, v3  }
0xfb: {  	[tilespmem:s29], [sflag:$0x1] =	stream.indirect_vreg.gather [hbm4b:s4+s2], $0x80, v4, vm0, $0xb8;
	[tilespmem:$0x18100] =	vst v63  }
0xfc: {  	_ = 	snop  }
0xfd: {  	[tilespmem:s30], [sflag:$0x1] =	stream.indirect_vreg.gather [hbm4b:s5+s2], $0x80, v4, vm0, $0xb8;
	[tilespmem:$0x18100] =	vst v63  }
0xfe: {  	_ = 	snop  }
0xff: {  	[tilespmem:s31], [sflag:$0x1] =	stream.indirect_vreg.gather [hbm4b:s3+s2], $0x80, v3, vm0, $0xb8;
	[tilespmem:$0x18100] =	vst v63  }
0x100: {  	s9 =	simm.s32 $0xB100  }
0x101: {  	[tilespmem:s9], [sflag:$0x1] =	stream.indirect_vreg.gather [hbm4b:s4+s2], $0x80, v3, vm0, $0xb8;
	[tilespmem:$0x18100] =	vst v63  }
0x102: {  	_ = 	snop  }
0x103: {  	[tilespmem:s8], [sflag:$0x1] =	stream.indirect_vreg.gather [hbm4b:s5+s2], $0x80, v3, vm0, $0xb8;
	[tilespmem:$0x18100] =	vst v63  }
0x104: {  	v3 =	vld [tilespmem:$0xC0];
	_ =	sdelay $0x4  }
0x105: {  	v60 =	vshrl.u32 v3, $0x3  }
0x106: {  	v4 =	vmul.u32 $0x30, v60  }
0x107: {  	v3 =	vand.u32 $0x7, v3  }
0x108: {  	v3 =	vor.u32 v3, v4  }
0x109: {  	v4 =	vperm.xlane v3, v0;
	_ =	sdelay $0x1  }
0x10a: {  	v4 =	vadd.s32 v1, v4;
	_ =	sdelay $0x3  }
0x10b: {  	s9 =	simm.s32 $0xC100;
	v3 =	vperm.xlane v3, v2  }
0x10c: {  	[tilespmem:s9], [sflag:$0x1] =	stream.indirect_vreg.gather [hbm4b:s3+s2], $0x80, v4, vm0, $0xb8;
	[tilespmem:$0x18100] =	vst v63  }
0x10d: {  	v3 =	vadd.s32 v1, v3;
	s9 =	simm.s32 $0xC900  }
0x10e: {  	[tilespmem:s9], [sflag:$0x1] =	stream.indirect_vreg.gather [hbm4b:s4+s2], $0x80, v4, vm0, $0xb8;
	[tilespmem:$0x18100] =	vst v63  }
0x10f: {  	s9 =	simm.s32 $0xD100  }
0x110: {  	[tilespmem:s9], [sflag:$0x1] =	stream.indirect_vreg.gather [hbm4b:s5+s2], $0x80, v4, vm0, $0xb8;
	[tilespmem:$0x18100] =	vst v63  }
0x111: {  	s9 =	simm.s32 $0xD900  }
0x112: {  	[tilespmem:s9], [sflag:$0x1] =	stream.indirect_vreg.gather [hbm4b:s3+s2], $0x80, v3, vm0, $0xb8;
	[tilespmem:$0x18100] =	vst v63  }
0x113: {  	s9 =	simm.s32 $0xE100  }
0x114: {  	[tilespmem:s9], [sflag:$0x1] =	stream.indirect_vreg.gather [hbm4b:s4+s2], $0x80, v3, vm0, $0xb8;
	[tilespmem:$0x18100] =	vst v63  }
0x115: {  	s9 =	simm.s32 $0xE900  }
0x116: {  	[tilespmem:s9], [sflag:$0x1] =	stream.indirect_vreg.gather [hbm4b:s5+s2], $0x80, v3, vm0, $0xb8;
	[tilespmem:$0x18100] =	vst v63  }
0x117: {  	v3 =	vld [tilespmem:$0xD0];
	_ =	sdelay $0x4  }
0x118: {  	v61 =	vshrl.u32 v3, $0x3  }
0x119: {  	v4 =	vmul.u32 $0x30, v61  }
0x11a: {  	v3 =	vand.u32 $0x7, v3  }
0x11b: {  	v3 =	vor.u32 v3, v4  }
0x11c: {  	v4 =	vperm.xlane v3, v0;
	_ =	sdelay $0x1  }
0x11d: {  	v4 =	vadd.s32 v1, v4;
	_ =	sdelay $0x3  }
0x11e: {  	s9 =	simm.s32 $0xF100;
	v3 =	vperm.xlane v3, v2  }
0x11f: {  	[tilespmem:s9], [sflag:$0x1] =	stream.indirect_vreg.gather [hbm4b:s3+s2], $0x80, v4, vm0, $0xb8;
	[tilespmem:$0x18100] =	vst v63  }
0x120: {  	v3 =	vadd.s32 v1, v3;
	s9 =	simm.s32 $0xF900  }
0x121: {  	[tilespmem:s9], [sflag:$0x1] =	stream.indirect_vreg.gather [hbm4b:s4+s2], $0x80, v4, vm0, $0xb8;
	[tilespmem:$0x18100] =	vst v63  }
0x122: {  	s9 =	simm.s32 $0x10100  }
0x123: {  	[tilespmem:s9], [sflag:$0x1] =	stream.indirect_vreg.gather [hbm4b:s5+s2], $0x80, v4, vm0, $0xb8;
	[tilespmem:$0x18100] =	vst v63  }
0x124: {  	s9 =	simm.s32 $0x10900  }
0x125: {  	[tilespmem:s9], [sflag:$0x1] =	stream.indirect_vreg.gather [hbm4b:s3+s2], $0x80, v3, vm0, $0xb8;
	[tilespmem:$0x18100] =	vst v63  }
0x126: {  	s9 =	simm.s32 $0x11100  }
0x127: {  	[tilespmem:s9], [sflag:$0x1] =	stream.indirect_vreg.gather [hbm4b:s4+s2], $0x80, v3, vm0, $0xb8;
	[tilespmem:$0x18100] =	vst v63  }
0x128: {  	s9 =	simm.s32 $0x11900  }
0x129: {  	[tilespmem:s9], [sflag:$0x1] =	stream.indirect_vreg.gather [hbm4b:s5+s2], $0x80, v3, vm0, $0xb8;
	[tilespmem:$0x18100] =	vst v63  }
0x12a: {  	v3 =	vld [tilespmem:$0xE0];
	_ =	sdelay $0x4  }
0x12b: {  	v62 =	vshrl.u32 v3, $0x3  }
0x12c: {  	v4 =	vmul.u32 $0x30, v62  }
0x12d: {  	v3 =	vand.u32 $0x7, v3  }
0x12e: {  	v3 =	vor.u32 v3, v4  }
0x12f: {  	v4 =	vperm.xlane v3, v0;
	_ =	sdelay $0x1  }
0x130: {  	v4 =	vadd.s32 v1, v4;
	_ =	sdelay $0x3  }
0x131: {  	s9 =	simm.s32 $0x12100;
	v3 =	vperm.xlane v3, v2  }
0x132: {  	[tilespmem:s9], [sflag:$0x1] =	stream.indirect_vreg.gather [hbm4b:s3+s2], $0x80, v4, vm0, $0xb8;
	[tilespmem:$0x18100] =	vst v63  }
0x133: {  	v3 =	vadd.s32 v1, v3;
	s9 =	simm.s32 $0x12900  }
0x134: {  	[tilespmem:s9], [sflag:$0x1] =	stream.indirect_vreg.gather [hbm4b:s4+s2], $0x80, v4, vm0, $0xb8;
	[tilespmem:$0x18100] =	vst v63  }
0x135: {  	s9 =	simm.s32 $0x13100  }
0x136: {  	[tilespmem:s9], [sflag:$0x1] =	stream.indirect_vreg.gather [hbm4b:s5+s2], $0x80, v4, vm0, $0xb8;
	[tilespmem:$0x18100] =	vst v63  }
0x137: {  	s9 =	simm.s32 $0x13900  }
0x138: {  	[tilespmem:s9], [sflag:$0x1] =	stream.indirect_vreg.gather [hbm4b:s3+s2], $0x80, v3, vm0, $0xb8;
	[tilespmem:$0x18100] =	vst v63  }
0x139: {  	s9 =	simm.s32 $0x14100  }
0x13a: {  	[tilespmem:s9], [sflag:$0x1] =	stream.indirect_vreg.gather [hbm4b:s4+s2], $0x80, v3, vm0, $0xb8;
	[tilespmem:$0x18100] =	vst v63  }
0x13b: {  	s9 =	simm.s32 $0x14900  }
0x13c: {  	[tilespmem:s9], [sflag:$0x1] =	stream.indirect_vreg.gather [hbm4b:s5+s2], $0x80, v3, vm0, $0xb8;
	[tilespmem:$0x18100] =	vst v63  }
0x13d: {  	v3 =	vld [tilespmem:$0xF0];
	_ =	sdelay $0x4  }
0x13e: {  	v63 =	vshrl.u32 v3, $0x3  }
0x13f: {  	v4 =	vmul.u32 $0x30, v63  }
0x140: {  	v3 =	vand.u32 $0x7, v3  }
0x141: {  	v3 =	vor.u32 v3, v4  }
0x142: {  	v4 =	vperm.xlane v3, v0;
	_ =	sdelay $0x1  }
0x143: {  	v4 =	vadd.s32 v1, v4;
	_ =	sdelay $0x3  }
0x144: {  	s9 =	simm.s32 $0x15100;
	v3 =	vperm.xlane v3, v2  }
0x145: {  	[tilespmem:s9], [sflag:$0x1] =	stream.indirect_vreg.gather [hbm4b:s3+s2], $0x80, v4, vm0, $0xb8;
	[tilespmem:$0x18100] =	vst v63  }
0x146: {  	v3 =	vadd.s32 v1, v3;
	s9 =	simm.s32 $0x15900  }
0x147: {  	[tilespmem:s9], [sflag:$0x1] =	stream.indirect_vreg.gather [hbm4b:s4+s2], $0x80, v4, vm0, $0xb8;
	[tilespmem:$0x18100] =	vst v63  }
0x148: {  	s9 =	simm.s32 $0x16100  }
0x149: {  	[tilespmem:s9], [sflag:$0x1] =	stream.indirect_vreg.gather [hbm4b:s5+s2], $0x80, v4, vm0, $0xb8;
	[tilespmem:$0x18100] =	vst v63  }
0x14a: {  	s9 =	simm.s32 $0x16900  }
0x14b: {  	[tilespmem:s9], [sflag:$0x1] =	stream.indirect_vreg.gather [hbm4b:s3+s2], $0x80, v3, vm0, $0xb8;
	[tilespmem:$0x18100] =	vst v63  }
0x14c: {  	s9 =	simm.s32 $0x17100  }
0x14d: {  	[tilespmem:s9], [sflag:$0x1] =	stream.indirect_vreg.gather [hbm4b:s4+s2], $0x80, v3, vm0, $0xb8;
	[tilespmem:$0x18100] =	vst v63  }
0x14e: {  	s9 =	simm.s32 $0x17900  }
0x14f: {  	[tilespmem:s9], [sflag:$0x1] =	stream.indirect_vreg.gather [hbm4b:s5+s2], $0x80, v3, vm0, $0xb8;
	[tilespmem:$0x18100] =	vst v63  }
0x150: {  	_ =	swait.ge [sflag:s1], $0x18000  }
0x151: {  	p0 =	sne.s32 s6, $0x1;
	s0 =	simm.s32 $0x100;
	[sflag:s1] =	ssyncset.done $0x0  }
.Ltmp0:
0x152: {  	s9 =	rddreg [dreg:$0x5];
	[sflag:s1] =	ssyncadd.s32 $0xFFFE8000;
	(pc) =	sbr.rel @p0 .LBB2_1-.Ltmp0, $4  }
0x153: {  	[hbm4b:s9+s2] =	stream.linear.scatter [tilespmem:s0], [sflag:$0x2], $0x18000, $0x38;
	[tilespmem:$0x18100] =	vst v63  }
0x154: {  	_ =	swait.ge [sflag:s7], $0x18000  }
0x155: {  	[sflag:s7] =	ssyncset.done $0x0  }
0x156: {  	s6 =	sadd.s32 $0xFFFFFFFF, s6;
	[sflag:s7] =	ssyncadd.s32 $0xFFFE8000  }
0x157: {  	_ =	sfence.sel $0x180000  }
0x158: {  	[bflag:$0x0] =	sbarrier.arrive $0xFFFF  }
0x159: {  	_ =	strace $0x9000004A  }
0x15a: {  	s0 =	stileid.u32;
	[bflag:$0x2] =	sbarrier.arrive $0xFFFF  }
0x15b: {  	p0 =	sne.s32 s0, $0x0;
	s0 =	rddreg [dreg:$0x2]  }
0x15c: {  	s0 =	sadd.s32 @!p0 $0x100000, s0  }
0x15d: {  	[sflag:s0] =	ssyncadd.tile.s32 @!p0 $0x1;
	_ =	shalt  }
.Lfunc_end2:
_tile_overlayer_lowered:
.L_overlay_start_2:
0x15e: {  	(tag) =	ssettag $0x2  }
0x15f: {  	s0 =	rddreg [dreg:$0x0];
	s2 =	stileid.u32  }
0x160: {  	s1 =	rddreg [dreg:$0x1];
	p0 =	sne.s32 s2, $0x0  }
0x161: {  	s3 =	rddreg [dreg:$0x2];
	[bflag:$0x3] =	sbarrier.arrive $0xFFFF;
	s2 =	simm.s32 @!p0 $0x1C02  }
0x162: {  	[timem:s3], [sflag:s2] =	dma.local @!p0 [hbm:s0], s1  }
0x163: {  	s0 =	simm.s32 @!p0 $0x2  }
0x164: {  	_ =	swait.ge @!p0 [sflag:s0], s1  }
0x165: {  	s1 =	ssub.s32 @!p0 $0x0, s1;
	[sflag:s0] =	ssyncset.done @!p0 $0x0  }
0x166: {  	[sflag:s0] =	ssyncadd.s32 @!p0 s1  }
0x167: {  	[bflag:$0x3] =	sbarrier.arrive $0xFFFF  }
0x168: {  	_ =	shalt  }

</sc_bundles>
